<compile_context>
chip_gen: v7x
topology: tpu7x:2x2x1
jax: 0.10.2.dev20260603
libtpu: 0.0.44.dev20260713+nightly
codegen_flags: <defaults>
</compile_context>

<pallas_src>
import functools

import jax
import jax.numpy as jnp
from jax import lax
from jax.experimental import pallas as pl
from jax.experimental.pallas import tpu as pltpu
from jax.experimental.pallas import tpu_sc as plsc

_N_OBJ = 8
_N_P = 64
_P2 = 4096
_C = 256
_H = 128
_W = 128
_IMG = 512.0
_SIM_THR = 0.5
_LOSS_WEIGHT = 1.0

_N_KP = _N_OBJ * _N_P
_P_TOTAL = _N_KP + _N_OBJ * _P2
_NW = 32
_PPW = _P_TOTAL // _NW
_CH = 40
_NCHUNK = _PPW // _CH
_DEPTH = 4


def _make_gatherer():
    mesh = plsc.VectorSubcoreMesh(core_axis_name="c", subcore_axis_name="s")

    @functools.partial(
        pl.kernel,
        mesh=mesh,
        out_type=jax.ShapeDtypeStruct((4, _P_TOTAL, _C // 2), jnp.uint32),
        scratch_types=(
            [pltpu.VMEM((_NCHUNK * 4, _CH), jnp.int32)]
            + [pltpu.VMEM((_CH, _C // 2), jnp.uint32) for _ in range(8)]
            + [pltpu.SemaphoreType.DMA for _ in range(4)]
        ),
    )
    def gatherer(table_hbm, idx_hbm, out_hbm, idx_v,
                 a0, a1, a2, a3, c0, c1, c2, c3, gsa, gsb, osa, osb):
        wid = lax.axis_index("s") * 2 + lax.axis_index("c")
        base = wid * _PPW
        pltpu.sync_copy(idx_hbm.at[wid], idx_v)

        bufs = ((a0, a1, a2, a3), (c0, c1, c2, c3))
        gsems = (gsa, gsb)
        osems = (osa, osb)

        def fire(k, s):
            for c in range(4):
                pltpu.async_copy(
                    table_hbm.at[idx_v.at[k * 4 + c]], bufs[s][c], gsems[s])

        def wait_gather(s):
            for c in range(4):
                pltpu.make_async_copy(
                    table_hbm.at[idx_v.at[c]], bufs[s][c], gsems[s]).wait()

        def fire_out(k, s):
            for c in range(4):
                pltpu.async_copy(
                    bufs[s][c],
                    out_hbm.at[c].at[pl.ds(base + k * _CH, _CH)], osems[s])

        def wait_out(k, s):
            for c in range(4):
                pltpu.make_async_copy(
                    bufs[s][c],
                    out_hbm.at[c].at[pl.ds(base + k * _CH, _CH)],
                    osems[s]).wait()

        fire(0, 0)

        def outer(j, carry):
            for b in range(2):
                k = j * 2 + b
                wait_gather(b)
                fire_out(k, b)

                @pl.when(k + 1 < _NCHUNK)
                def _():
                    @pl.when(k >= 1)
                    def _():
                        wait_out(k - 1, 1 - b)

                    fire(k + 1, 1 - b)
            return carry

        lax.fori_loop(0, _NCHUNK // 2, outer, 0, unroll=False)
        for b in range(2):
            wait_out(_NCHUNK - 2 + b, b)

    return gatherer


@functools.cache
def _get_gatherer():
    return _make_gatherer()


def _unpack_halves(xc):
    ev = lax.bitcast_convert_type(xc << jnp.uint32(16), jnp.float32)
    od = lax.bitcast_convert_type(xc & jnp.uint32(0xFFFF0000), jnp.float32)
    return ev, od


def _loss_body(f1c_ref, f2c_ref, w1_ref, w2_ref,
               x1_ref, y1_ref, x2_ref, y2_ref, out_ref):
    i = pl.program_id(0)
    w1 = w1_ref[...]
    w2 = w2_ref[...]
    hc = _C // 2
    f1e = jnp.zeros((_N_P, hc), jnp.float32)
    f1o = jnp.zeros((_N_P, hc), jnp.float32)
    f2e = jnp.zeros((_P2, hc), jnp.float32)
    f2o = jnp.zeros((_P2, hc), jnp.float32)
    for c in range(4):
        ev, od = _unpack_halves(f1c_ref[c])
        f1e = f1e + w1[:, c][:, None] * ev
        f1o = f1o + w1[:, c][:, None] * od
        ev, od = _unpack_halves(f2c_ref[c])
        f2e = f2e + w2[:, c][:, None] * ev
        f2o = f2o + w2[:, c][:, None] * od

    dn = (((1,), (1,)), ((), ()))
    num = (lax.dot_general(f1e, f2e, dn, preferred_element_type=jnp.float32)
           + lax.dot_general(f1o, f2o, dn,
                             preferred_element_type=jnp.float32))
    na = jnp.sqrt(jnp.sum(f1e * f1e, axis=1)
                  + jnp.sum(f1o * f1o, axis=1))[:, None]
    nb = jnp.sqrt(jnp.sum(f2e * f2e, axis=1)
                  + jnp.sum(f2o * f2o, axis=1))[None, :]
    thr = _SIM_THR * jnp.maximum(na * nb, 1e-8)
    mask = num >= thr

    x1 = x1_ref[0, 0]
    y1 = y1_ref[0, 0]
    x2 = x2_ref[0, 0]
    y2 = y2_ref[0, 0]
    dx = x1[:, None] - x2[None, :]
    dy = y1[:, None] - y2[None, :]
    dist = jnp.sqrt(dx * dx + dy * dy)

    maskf = mask.astype(jnp.float32)
    cnt = jnp.sum(maskf, axis=1)
    d1 = jnp.min(jnp.where(mask, dist, 1e10), axis=1)
    d2 = jnp.sum(dist * maskf, axis=1) / jnp.maximum(cnt, 1.0)
    m = (jnp.sum(x2) + jnp.sum(y2) >= 0).astype(jnp.float32)
    cost = jnp.where(cnt > 0, (d1 + d2) * (0.5 * m), 0.0)
    obj = jnp.sum(cost)

    @pl.when(i == 0)
    def _():
        out_ref[0, 0] = 0.0

    out_ref[0, 0] += obj

    @pl.when(i == _N_OBJ - 1)
    def _():
        out_ref[0, 0] *= _LOSS_WEIGHT / (_N_P * _N_OBJ)


def _loss(corners, wts, x1, y1, x2, y2):
    kp_blk = _N_OBJ * _P2 // _N_P
    out = pl.pallas_call(
        _loss_body,
        grid=(_N_OBJ,),
        in_specs=[
            pl.BlockSpec((4, _N_P, _C // 2), lambda i: (0, kp_blk + i, 0)),
            pl.BlockSpec((4, _P2, _C // 2), lambda i: (0, i, 0)),
            pl.BlockSpec((_N_P, 4), lambda i: (kp_blk + i, 0)),
            pl.BlockSpec((_P2, 4), lambda i: (i, 0)),
            pl.BlockSpec((1, 1, _N_P), lambda i: (i, 0, 0)),
            pl.BlockSpec((1, 1, _N_P), lambda i: (i, 0, 0)),
            pl.BlockSpec((1, 1, _P2), lambda i: (i, 0, 0)),
            pl.BlockSpec((1, 1, _P2), lambda i: (i, 0, 0)),
        ],
        out_specs=pl.BlockSpec((1, 1), lambda i: (0, 0),
                               memory_space=pltpu.SMEM),
        out_shape=jax.ShapeDtypeStruct((1, 1), jnp.float32),
    )(corners, corners, wts, wts, x1, y1, x2, y2)
    return out[0, 0]


def kernel(point_set_1, point_set_2, feats, key_points):
    fbits = lax.bitcast_convert_type(
        feats[0].reshape(_C, _H * _W), jnp.uint32)

    def _rne(u):
        return (u + jnp.uint32(0x7FFF) + ((u >> jnp.uint32(16))
                                          & jnp.uint32(1))) >> jnp.uint32(16)

    packed = (_rne(fbits[1::2]) << jnp.uint32(16)) | _rne(fbits[0::2])
    table = packed.T

    pts = jnp.concatenate(
        [point_set_2.reshape(-1, 2) / _IMG, key_points / _IMG], axis=0)
    ix = pts[:, 0] * _W - 0.5
    iy = pts[:, 1] * _H - 0.5
    x0 = jnp.floor(ix)
    y0 = jnp.floor(iy)
    wx1 = ix - x0
    wx0 = 1.0 - wx1
    wy1 = iy - y0
    wy0 = 1.0 - wy1

    idxs = []
    ws = []
    for xi, yi, wgt in ((x0, y0, wx0 * wy0), (x0 + 1.0, y0, wx1 * wy0),
                        (x0, y0 + 1.0, wx0 * wy1), (x0 + 1.0, y0 + 1.0, wx1 * wy1)):
        valid = ((xi >= 0) & (xi <= _W - 1) & (yi >= 0) & (yi <= _H - 1))
        xc = jnp.clip(xi, 0, _W - 1).astype(jnp.int32)
        yc = jnp.clip(yi, 0, _H - 1).astype(jnp.int32)
        idxs.append(yc * _W + xc)
        ws.append(wgt * valid.astype(jnp.float32))
    idx = (jnp.stack(idxs, axis=0)
           .reshape(4, _NW, _NCHUNK, _CH)
           .transpose(1, 2, 0, 3)
           .reshape(_NW, _NCHUNK * 4, _CH))
    wts = jnp.stack(ws, axis=1)

    corners = _get_gatherer()(table, idx)

    x1 = point_set_1[..., 0].reshape(_N_OBJ, 1, _N_P)
    y1 = point_set_1[..., 1].reshape(_N_OBJ, 1, _N_P)
    x2 = point_set_2[..., 0].reshape(_N_OBJ, 1, _P2)
    y2 = point_set_2[..., 1].reshape(_N_OBJ, 1, _P2)

    return _loss(corners, wts, x1, y1, x2, y2)

# --- scband reference (transcript-rebuilt; emitter-appended) ---
"""Pipeline reference for scband-sim-focus-chamfer-loss2-d-41824391529115 (READ-ONLY COPY).

The authoritative reference and input builder live on the scoring server;
editing this copy changes nothing except your own understanding.
"""

import jax, jax.numpy as jnp
import numpy as np

N_OBJ = 8
N_P = 64
P2 = 4096
C = 256
H = 128
W = 128
IMG = 512.0
SIM_THR = 0.5
LOSS_WEIGHT = 1.0


def _point_sample(feats, points):
    # Faithful port of mmcv point_sample (F.grid_sample, bilinear, zeros padding,
    # align_corners=False). feats: [N, C, H, W]; points: [N, P, 2] in [0, 1] as (x, y).
    n, c, h, w = feats.shape
    ix = points[..., 0] * w - 0.5
    iy = points[..., 1] * h - 0.5
    x0 = jnp.floor(ix)
    y0 = jnp.floor(iy)
    x1 = x0 + 1.0
    y1 = y0 + 1.0
    wx1 = ix - x0
    wx0 = 1.0 - wx1
    wy1 = iy - y0
    wy0 = 1.0 - wy1

    def gather(xi, yi):
        valid = (xi >= 0) & (xi <= w - 1) & (yi >= 0) & (yi <= h - 1)
        xc = jnp.clip(xi, 0, w - 1).astype(jnp.int32)
        yc = jnp.clip(yi, 0, h - 1).astype(jnp.int32)
        vals = jax.vmap(lambda f, yy, xx: f[:, yy, xx])(feats, yc, xc)  # [N, C, P]
        return vals * valid[:, None, :].astype(feats.dtype)

    out = (gather(x0, y0) * (wx0 * wy0)[:, None, :]
           + gather(x1, y0) * (wx1 * wy0)[:, None, :]
           + gather(x0, y1) * (wx0 * wy1)[:, None, :]
           + gather(x1, y1) * (wx1 * wy1)[:, None, :])
    return out  # [N, C, P]


def _forward(point_set_1, point_set_2, feats, key_points):
    img_size = jnp.array([IMG, IMG], dtype=feats.dtype)  # (w, h) from img_metas['img_shape'][:2][::-1]
    # feats_set_1 = point_sample(feats, key_points[None] / img_size)[0].permute(1, 0)
    f1_all = _point_sample(feats, (key_points / img_size)[None])[0].T  # [K, C]
    f1_all = f1_all.reshape(N_OBJ, N_P, C)  # .split(num_parts, dim=0), equal parts
    # feats_set_2 = point_sample(feats.expand(n_obj, ...), torch.cat(point_set_2) / img_size)
    pts2 = point_set_2.reshape(N_OBJ, P2, 2)
    f2_all = _point_sample(jnp.broadcast_to(feats, (N_OBJ, C, H, W)), pts2 / img_size)  # [n_obj, C, P2]

    dist = jnp.zeros((), dtype=feats.dtype)
    for i in range(N_OBJ):
        set1 = point_set_1[i]          # [N_P, 2]
        set2 = point_set_2[i]          # [1, P2, 2]
        f1 = f1_all[i]                 # [N_P, C]
        f2 = f2_all[i]                 # [C, P2]
        # F.cosine_similarity(feats_1[..., None], feats_2, dim=1) -> [N_P, P2]
        num = f1 @ f2
        na = jnp.linalg.norm(f1, axis=1, keepdims=True)
        nb = jnp.linalg.norm(f2, axis=0, keepdims=True)
        sims = num / jnp.maximum(na * nb, 1e-8)
        mask = sims >= SIM_THR         # [N_P, P2]
        # pairwise L2 distances |s1 - set_2|, vectorized over the per-part loop
        D = jnp.linalg.norm(set1[:, None, :] - set2[0][None, :, :], axis=-1)  # [N_P, P2]
        cnt = mask.sum(axis=1)
        # chamfer(s1[None], set_2[:, mask, :]): d1 = min over masked, d2 = mean over masked
        d1 = jnp.where(mask, D, 1e10).min(axis=1)
        d2 = (D * mask.astype(D.dtype)).sum(axis=1) / jnp.maximum(cnt, 1).astype(D.dtype)
        m = (set2.sum() >= 0).astype(D.dtype)
        # mask.sum() == 0 branch contributes exactly 0 (torch: 0 * chamfer(...))
        cost = jnp.where(cnt > 0, (d1 + d2) * 0.5 * m, 0.0)
        dist = dist + cost.sum() / N_P  # d_p / sims.shape[0]
    return dist / N_OBJ * LOSS_WEIGHT


def setup_inputs(seed: int = 0):
    key = jax.random.key(seed)
    k1, k2, k3, k4 = jax.random.split(key, 4)
    return {
        "point_set_1": jax.random.uniform(k1, (N_OBJ, N_P, 2), dtype=jnp.float32) * IMG,
        "point_set_2": jax.random.uniform(k2, (N_OBJ, 1, P2, 2), dtype=jnp.float32) * IMG,
        "feats": jax.random.normal(k3, (1, C, H, W), dtype=jnp.float32),
        "key_points": jax.random.uniform(k4, (N_OBJ * N_P, 2), dtype=jnp.float32) * IMG,
    }


def reference(point_set_1, point_set_2, feats, key_points):
    return _forward(point_set_1, point_set_2, feats, key_points)

if __name__ == "__main__":
    import jax
    _d = setup_inputs()
    print(jax.jit(kernel)(*tuple(_d.values())))

</pallas_src>

<mosaic_0001>
#map = affine_map<(d0, d1) -> (0, 0)>
#map1 = affine_map<(d0, d1) -> (0, 0, 0)>
module attributes {stable_mosaic.version = 14 : i64} {
  func.func @gatherer(%arg0: i32, %arg1: i32, %arg2: memref<16384x128xi32, #tpu.memory_space<hbm>>, %arg3: memref<32x104x40xi32, #tpu.memory_space<hbm>>, %arg4: memref<4x33280x128xi32, #tpu.memory_space<hbm>>, %arg5: memref<104x40xi32, #tpu.memory_space<vmem>>, %arg6: memref<40x128xi32, #tpu.memory_space<vmem>>, %arg7: memref<40x128xi32, #tpu.memory_space<vmem>>, %arg8: memref<40x128xi32, #tpu.memory_space<vmem>>, %arg9: memref<40x128xi32, #tpu.memory_space<vmem>>, %arg10: memref<40x128xi32, #tpu.memory_space<vmem>>, %arg11: memref<40x128xi32, #tpu.memory_space<vmem>>, %arg12: memref<40x128xi32, #tpu.memory_space<vmem>>, %arg13: memref<40x128xi32, #tpu.memory_space<vmem>>, %arg14: memref<!tpu.dma_semaphore, #tpu.memory_space<semaphore_mem>>, %arg15: memref<!tpu.dma_semaphore, #tpu.memory_space<semaphore_mem>>, %arg16: memref<!tpu.dma_semaphore, #tpu.memory_space<semaphore_mem>>, %arg17: memref<!tpu.dma_semaphore, #tpu.memory_space<semaphore_mem>>) attributes {dimension_semantics = [#tpu.dimension_semantics<core_parallel>, #tpu.dimension_semantics<subcore_parallel>], iteration_bounds = array<i64: 2, 16>, scalar_prefetch = 0 : i64, scratch_operands = 13 : i64, tpu.core_type = #tpu.core_type<sc_vector_subcore>, window_params = [{transform_indices = #map}, {transform_indices = #map1}, {transform_indices = #map1}]} {
    %mul3A = arith.constant 2 : i32
    %mul3A_0 = arith.muli %arg1, %mul3A : i32
    %add3A = arith.addi %mul3A_0, %arg0 : i32
    %mul3A_1 = arith.constant 1040 : i32
    %mul3A_2 = arith.muli %add3A, %mul3A_1 : i32
    "tpu.region"() ({
      %run_scoped3A = tpu.sem_alloc : memref<!tpu.dma_semaphore, #tpu.memory_space<semaphore_mem>>
      %dma_start3A_154 = arith.constant 0 : i32
      %dma_start3A_155 = arith.constant 0 : i32
      %dma_start3A_156 = tpu.memref_slice %arg3[%add3A, %dma_start3A_154, %dma_start3A_155] : memref<32x104x40xi32, #tpu.memory_space<hbm>> -> memref<1x104x40xi32, #tpu.memory_space<hbm>>
      %dma_start3A_157 = tpu.memref_squeeze %dma_start3A_156 : memref<1x104x40xi32, #tpu.memory_space<hbm>> -> memref<104x40xi32, #tpu.memory_space<hbm>>
      %dma_start3A_158 = arith.constant 0 : i32
      %dma_start3A_159 = arith.constant 0 : i32
      %dma_start3A_160 = tpu.memref_slice %arg3[%add3A, %dma_start3A_158, %dma_start3A_159] : memref<32x104x40xi32, #tpu.memory_space<hbm>> -> memref<1x104x40xi32, #tpu.memory_space<hbm>>
      %dma_start3A_161 = tpu.memref_squeeze %dma_start3A_160 : memref<1x104x40xi32, #tpu.memory_space<hbm>> -> memref<104x40xi32, #tpu.memory_space<hbm>>
      tpu.enqueue_dma source(%dma_start3A_161 : memref<104x40xi32, #tpu.memory_space<hbm>>) target(%arg5 : memref<104x40xi32, #tpu.memory_space<vmem>>) target_semaphore(%run_scoped3A : memref<!tpu.dma_semaphore, #tpu.memory_space<semaphore_mem>>)
      %dma_wait3A_162 = arith.constant 0 : i32
      %dma_wait3A_163 = arith.constant 0 : i32
      %dma_wait3A_164 = tpu.memref_slice %arg3[%add3A, %dma_wait3A_162, %dma_wait3A_163] : memref<32x104x40xi32, #tpu.memory_space<hbm>> -> memref<1x104x40xi32, #tpu.memory_space<hbm>>
      %dma_wait3A_165 = tpu.memref_squeeze %dma_wait3A_164 : memref<1x104x40xi32, #tpu.memory_space<hbm>> -> memref<104x40xi32, #tpu.memory_space<hbm>>
      %dma_wait3A_166 = arith.constant 0 : i32
      %dma_wait3A_167 = arith.constant 0 : i32
      %dma_wait3A_168 = tpu.memref_slice %arg3[%add3A, %dma_wait3A_166, %dma_wait3A_167] : memref<32x104x40xi32, #tpu.memory_space<hbm>> -> memref<1x104x40xi32, #tpu.memory_space<hbm>>
      %dma_wait3A_169 = tpu.memref_squeeze %dma_wait3A_168 : memref<1x104x40xi32, #tpu.memory_space<hbm>> -> memref<104x40xi32, #tpu.memory_space<hbm>>
      tpu.wait_dma2 semaphore(%run_scoped3A : memref<!tpu.dma_semaphore, #tpu.memory_space<semaphore_mem>>) src(%dma_wait3A_169 : memref<104x40xi32, #tpu.memory_space<hbm>>) dst(%arg5 : memref<104x40xi32, #tpu.memory_space<vmem>>)
      tpu.yield
    }) : () -> ()
    %dma_start3A = arith.constant 0 : i32
    %dma_start3A_3 = arith.constant 0 : i32
    %dma_start3A_4 = tpu.memref_slice %arg5[%dma_start3A, %dma_start3A_3] : memref<104x40xi32, #tpu.memory_space<vmem>> -> memref<1x40xi32, #tpu.memory_space<vmem>>
    %dma_start3A_5 = tpu.memref_squeeze %dma_start3A_4 : memref<1x40xi32, #tpu.memory_space<vmem>> -> memref<40xi32, #tpu.memory_space<vmem>>
    %dma_start3A_6 = arith.constant 0 : i32
    %dma_start3A_7 = arith.constant 0 : i32
    %dma_start3A_8 = tpu.memref_slice %arg2[%dma_start3A_6, %dma_start3A_7] : memref<16384x128xi32, #tpu.memory_space<hbm>> -> memref<16384x128xi32, #tpu.memory_space<hbm>>
    tpu.enqueue_indirect_dma source(%dma_start3A_8 : memref<16384x128xi32, #tpu.memory_space<hbm>>) target(%arg6 : memref<40x128xi32, #tpu.memory_space<vmem>>) offsets(%dma_start3A_5 : memref<40xi32, #tpu.memory_space<vmem>>) semaphore(%arg14 : memref<!tpu.dma_semaphore, #tpu.memory_space<semaphore_mem>>)
    %dma_start3A_9 = arith.constant 1 : i32
    %dma_start3A_10 = arith.constant 0 : i32
    %dma_start3A_11 = tpu.memref_slice %arg5[%dma_start3A_9, %dma_start3A_10] : memref<104x40xi32, #tpu.memory_space<vmem>> -> memref<1x40xi32, #tpu.memory_space<vmem>>
    %dma_start3A_12 = tpu.memref_squeeze %dma_start3A_11 : memref<1x40xi32, #tpu.memory_space<vmem>> -> memref<40xi32, #tpu.memory_space<vmem>>
    %dma_start3A_13 = arith.constant 0 : i32
    %dma_start3A_14 = arith.constant 0 : i32
    %dma_start3A_15 = tpu.memref_slice %arg2[%dma_start3A_13, %dma_start3A_14] : memref<16384x128xi32, #tpu.memory_space<hbm>> -> memref<16384x128xi32, #tpu.memory_space<hbm>>
    tpu.enqueue_indirect_dma source(%dma_start3A_15 : memref<16384x128xi32, #tpu.memory_space<hbm>>) target(%arg7 : memref<40x128xi32, #tpu.memory_space<vmem>>) offsets(%dma_start3A_12 : memref<40xi32, #tpu.memory_space<vmem>>) semaphore(%arg14 : memref<!tpu.dma_semaphore, #tpu.memory_space<semaphore_mem>>)
    %dma_start3A_16 = arith.constant 2 : i32
    %dma_start3A_17 = arith.constant 0 : i32
    %dma_start3A_18 = tpu.memref_slice %arg5[%dma_start3A_16, %dma_start3A_17] : memref<104x40xi32, #tpu.memory_space<vmem>> -> memref<1x40xi32, #tpu.memory_space<vmem>>
    %dma_start3A_19 = tpu.memref_squeeze %dma_start3A_18 : memref<1x40xi32, #tpu.memory_space<vmem>> -> memref<40xi32, #tpu.memory_space<vmem>>
    %dma_start3A_20 = arith.constant 0 : i32
    %dma_start3A_21 = arith.constant 0 : i32
    %dma_start3A_22 = tpu.memref_slice %arg2[%dma_start3A_20, %dma_start3A_21] : memref<16384x128xi32, #tpu.memory_space<hbm>> -> memref<16384x128xi32, #tpu.memory_space<hbm>>
    tpu.enqueue_indirect_dma source(%dma_start3A_22 : memref<16384x128xi32, #tpu.memory_space<hbm>>) target(%arg8 : memref<40x128xi32, #tpu.memory_space<vmem>>) offsets(%dma_start3A_19 : memref<40xi32, #tpu.memory_space<vmem>>) semaphore(%arg14 : memref<!tpu.dma_semaphore, #tpu.memory_space<semaphore_mem>>)
    %dma_start3A_23 = arith.constant 3 : i32
    %dma_start3A_24 = arith.constant 0 : i32
    %dma_start3A_25 = tpu.memref_slice %arg5[%dma_start3A_23, %dma_start3A_24] : memref<104x40xi32, #tpu.memory_space<vmem>> -> memref<1x40xi32, #tpu.memory_space<vmem>>
    %dma_start3A_26 = tpu.memref_squeeze %dma_start3A_25 : memref<1x40xi32, #tpu.memory_space<vmem>> -> memref<40xi32, #tpu.memory_space<vmem>>
    %dma_start3A_27 = arith.constant 0 : i32
    %dma_start3A_28 = arith.constant 0 : i32
    %dma_start3A_29 = tpu.memref_slice %arg2[%dma_start3A_27, %dma_start3A_28] : memref<16384x128xi32, #tpu.memory_space<hbm>> -> memref<16384x128xi32, #tpu.memory_space<hbm>>
    tpu.enqueue_indirect_dma source(%dma_start3A_29 : memref<16384x128xi32, #tpu.memory_space<hbm>>) target(%arg9 : memref<40x128xi32, #tpu.memory_space<vmem>>) offsets(%dma_start3A_26 : memref<40xi32, #tpu.memory_space<vmem>>) semaphore(%arg14 : memref<!tpu.dma_semaphore, #tpu.memory_space<semaphore_mem>>)
    %scan3A = arith.constant 0 : i32
    %scan3A_30 = arith.constant 0 : i32
    %scan3A_31 = arith.constant 13 : i32
    %scan3A_32 = arith.addi %scan3A_30, %scan3A_31 : i32
    %scan3A_33 = arith.constant 1 : i32
    scf.for %scan3A_154 = %scan3A_30 to %scan3A_32 step %scan3A_33  : i32 {
      %mul3A_155 = arith.constant 2 : i32
      %mul3A_156 = arith.muli %scan3A_154, %mul3A_155 : i32
      %add3A_157 = arith.constant 0 : i32
      %add3A_158 = arith.addi %mul3A_156, %add3A_157 : i32
      %dma_wait3A_159 = arith.constant 0 : i32
      %dma_wait3A_160 = arith.constant 0 : i32
      %dma_wait3A_161 = tpu.memref_slice %arg5[%dma_wait3A_159, %dma_wait3A_160] : memref<104x40xi32, #tpu.memory_space<vmem>> -> memref<1x40xi32, #tpu.memory_space<vmem>>
      %dma_wait3A_162 = tpu.memref_squeeze %dma_wait3A_161 : memref<1x40xi32, #tpu.memory_space<vmem>> -> memref<40xi32, #tpu.memory_space<vmem>>
      %dma_wait3A_163 = arith.constant 0 : i32
      %dma_wait3A_164 = arith.constant 0 : i32
      %dma_wait3A_165 = tpu.memref_slice %arg2[%dma_wait3A_163, %dma_wait3A_164] : memref<16384x128xi32, #tpu.memory_space<hbm>> -> memref<16384x128xi32, #tpu.memory_space<hbm>>
      tpu.wait_indirect_dma semaphore(%arg14 : memref<!tpu.dma_semaphore, #tpu.memory_space<semaphore_mem>>) src(%dma_wait3A_165 : memref<16384x128xi32, #tpu.memory_space<hbm>>) dst(%arg6 : memref<40x128xi32, #tpu.memory_space<vmem>>)
      %dma_wait3A_166 = arith.constant 1 : i32
      %dma_wait3A_167 = arith.constant 0 : i32
      %dma_wait3A_168 = tpu.memref_slice %arg5[%dma_wait3A_166, %dma_wait3A_167] : memref<104x40xi32, #tpu.memory_space<vmem>> -> memref<1x40xi32, #tpu.memory_space<vmem>>
      %dma_wait3A_169 = tpu.memref_squeeze %dma_wait3A_168 : memref<1x40xi32, #tpu.memory_space<vmem>> -> memref<40xi32, #tpu.memory_space<vmem>>
      %dma_wait3A_170 = arith.constant 0 : i32
      %dma_wait3A_171 = arith.constant 0 : i32
      %dma_wait3A_172 = tpu.memref_slice %arg2[%dma_wait3A_170, %dma_wait3A_171] : memref<16384x128xi32, #tpu.memory_space<hbm>> -> memref<16384x128xi32, #tpu.memory_space<hbm>>
      tpu.wait_indirect_dma semaphore(%arg14 : memref<!tpu.dma_semaphore, #tpu.memory_space<semaphore_mem>>) src(%dma_wait3A_172 : memref<16384x128xi32, #tpu.memory_space<hbm>>) dst(%arg7 : memref<40x128xi32, #tpu.memory_space<vmem>>)
      %dma_wait3A_173 = arith.constant 2 : i32
      %dma_wait3A_174 = arith.constant 0 : i32
      %dma_wait3A_175 = tpu.memref_slice %arg5[%dma_wait3A_173, %dma_wait3A_174] : memref<104x40xi32, #tpu.memory_space<vmem>> -> memref<1x40xi32, #tpu.memory_space<vmem>>
      %dma_wait3A_176 = tpu.memref_squeeze %dma_wait3A_175 : memref<1x40xi32, #tpu.memory_space<vmem>> -> memref<40xi32, #tpu.memory_space<vmem>>
      %dma_wait3A_177 = arith.constant 0 : i32
      %dma_wait3A_178 = arith.constant 0 : i32
      %dma_wait3A_179 = tpu.memref_slice %arg2[%dma_wait3A_177, %dma_wait3A_178] : memref<16384x128xi32, #tpu.memory_space<hbm>> -> memref<16384x128xi32, #tpu.memory_space<hbm>>
      tpu.wait_indirect_dma semaphore(%arg14 : memref<!tpu.dma_semaphore, #tpu.memory_space<semaphore_mem>>) src(%dma_wait3A_179 : memref<16384x128xi32, #tpu.memory_space<hbm>>) dst(%arg8 : memref<40x128xi32, #tpu.memory_space<vmem>>)
      %dma_wait3A_180 = arith.constant 3 : i32
      %dma_wait3A_181 = arith.constant 0 : i32
      %dma_wait3A_182 = tpu.memref_slice %arg5[%dma_wait3A_180, %dma_wait3A_181] : memref<104x40xi32, #tpu.memory_space<vmem>> -> memref<1x40xi32, #tpu.memory_space<vmem>>
      %dma_wait3A_183 = tpu.memref_squeeze %dma_wait3A_182 : memref<1x40xi32, #tpu.memory_space<vmem>> -> memref<40xi32, #tpu.memory_space<vmem>>
      %dma_wait3A_184 = arith.constant 0 : i32
      %dma_wait3A_185 = arith.constant 0 : i32
      %dma_wait3A_186 = tpu.memref_slice %arg2[%dma_wait3A_184, %dma_wait3A_185] : memref<16384x128xi32, #tpu.memory_space<hbm>> -> memref<16384x128xi32, #tpu.memory_space<hbm>>
      tpu.wait_indirect_dma semaphore(%arg14 : memref<!tpu.dma_semaphore, #tpu.memory_space<semaphore_mem>>) src(%dma_wait3A_186 : memref<16384x128xi32, #tpu.memory_space<hbm>>) dst(%arg9 : memref<40x128xi32, #tpu.memory_space<vmem>>)
      %mul3A_187 = arith.constant 40 : i32
      %mul3A_188 = arith.muli %add3A_158, %mul3A_187 : i32
      %add3A_189 = arith.addi %mul3A_2, %mul3A_188 : i32
      %dma_start3A_190 = arith.constant 0 : i32
      %dma_start3A_191 = arith.constant 0 : i32
      %dma_start3A_192 = arith.constant 0 : i32
      %dma_start3A_193 = tpu.memref_slice %arg4[%dma_start3A_190, %dma_start3A_191, %dma_start3A_192] : memref<4x33280x128xi32, #tpu.memory_space<hbm>> -> memref<1x33280x128xi32, #tpu.memory_space<hbm>>
      %dma_start3A_194 = tpu.memref_squeeze %dma_start3A_193 : memref<1x33280x128xi32, #tpu.memory_space<hbm>> -> memref<33280x128xi32, #tpu.memory_space<hbm>>
      %dma_start3A_195 = arith.constant 0 : i32
      %dma_start3A_196 = tpu.memref_slice %dma_start3A_194[%add3A_189, %dma_start3A_195] : memref<33280x128xi32, #tpu.memory_space<hbm>> -> memref<40x128xi32, #tpu.memory_space<hbm>>
      %dma_start3A_197 = arith.constant 0 : i32
      %dma_start3A_198 = arith.constant 0 : i32
      %dma_start3A_199 = tpu.memref_slice %arg4[%dma_start3A_190, %dma_start3A_197, %dma_start3A_198] : memref<4x33280x128xi32, #tpu.memory_space<hbm>> -> memref<1x33280x128xi32, #tpu.memory_space<hbm>>
      %dma_start3A_200 = tpu.memref_squeeze %dma_start3A_199 : memref<1x33280x128xi32, #tpu.memory_space<hbm>> -> memref<33280x128xi32, #tpu.memory_space<hbm>>
      %dma_start3A_201 = arith.constant 0 : i32
      %dma_start3A_202 = tpu.memref_slice %dma_start3A_200[%add3A_189, %dma_start3A_201] : memref<33280x128xi32, #tpu.memory_space<hbm>> -> memref<40x128xi32, #tpu.memory_space<hbm>>
      tpu.enqueue_dma source(%arg6 : memref<40x128xi32, #tpu.memory_space<vmem>>) target(%dma_start3A_202 : memref<40x128xi32, #tpu.memory_space<hbm>>) target_semaphore(%arg16 : memref<!tpu.dma_semaphore, #tpu.memory_space<semaphore_mem>>)
      %mul3A_203 = arith.constant 40 : i32
      %mul3A_204 = arith.muli %add3A_158, %mul3A_203 : i32
      %add3A_205 = arith.addi %mul3A_2, %mul3A_204 : i32
      %dma_start3A_206 = arith.constant 1 : i32
      %dma_start3A_207 = arith.constant 0 : i32
      %dma_start3A_208 = arith.constant 0 : i32
      %dma_start3A_209 = tpu.memref_slice %arg4[%dma_start3A_206, %dma_start3A_207, %dma_start3A_208] : memref<4x33280x128xi32, #tpu.memory_space<hbm>> -> memref<1x33280x128xi32, #tpu.memory_space<hbm>>
      %dma_start3A_210 = tpu.memref_squeeze %dma_start3A_209 : memref<1x33280x128xi32, #tpu.memory_space<hbm>> -> memref<33280x128xi32, #tpu.memory_space<hbm>>
      %dma_start3A_211 = arith.constant 0 : i32
      %dma_start3A_212 = tpu.memref_slice %dma_start3A_210[%add3A_205, %dma_start3A_211] : memref<33280x128xi32, #tpu.memory_space<hbm>> -> memref<40x128xi32, #tpu.memory_space<hbm>>
      %dma_start3A_213 = arith.constant 0 : i32
      %dma_start3A_214 = arith.constant 0 : i32
      %dma_start3A_215 = tpu.memref_slice %arg4[%dma_start3A_206, %dma_start3A_213, %dma_start3A_214] : memref<4x33280x128xi32, #tpu.memory_space<hbm>> -> memref<1x33280x128xi32, #tpu.memory_space<hbm>>
      %dma_start3A_216 = tpu.memref_squeeze %dma_start3A_215 : memref<1x33280x128xi32, #tpu.memory_space<hbm>> -> memref<33280x128xi32, #tpu.memory_space<hbm>>
      %dma_start3A_217 = arith.constant 0 : i32
      %dma_start3A_218 = tpu.memref_slice %dma_start3A_216[%add3A_205, %dma_start3A_217] : memref<33280x128xi32, #tpu.memory_space<hbm>> -> memref<40x128xi32, #tpu.memory_space<hbm>>
      tpu.enqueue_dma source(%arg7 : memref<40x128xi32, #tpu.memory_space<vmem>>) target(%dma_start3A_218 : memref<40x128xi32, #tpu.memory_space<hbm>>) target_semaphore(%arg16 : memref<!tpu.dma_semaphore, #tpu.memory_space<semaphore_mem>>)
      %mul3A_219 = arith.constant 40 : i32
      %mul3A_220 = arith.muli %add3A_158, %mul3A_219 : i32
      %add3A_221 = arith.addi %mul3A_2, %mul3A_220 : i32
      %dma_start3A_222 = arith.constant 2 : i32
      %dma_start3A_223 = arith.constant 0 : i32
      %dma_start3A_224 = arith.constant 0 : i32
      %dma_start3A_225 = tpu.memref_slice %arg4[%dma_start3A_222, %dma_start3A_223, %dma_start3A_224] : memref<4x33280x128xi32, #tpu.memory_space<hbm>> -> memref<1x33280x128xi32, #tpu.memory_space<hbm>>
      %dma_start3A_226 = tpu.memref_squeeze %dma_start3A_225 : memref<1x33280x128xi32, #tpu.memory_space<hbm>> -> memref<33280x128xi32, #tpu.memory_space<hbm>>
      %dma_start3A_227 = arith.constant 0 : i32
      %dma_start3A_228 = tpu.memref_slice %dma_start3A_226[%add3A_221, %dma_start3A_227] : memref<33280x128xi32, #tpu.memory_space<hbm>> -> memref<40x128xi32, #tpu.memory_space<hbm>>
      %dma_start3A_229 = arith.constant 0 : i32
      %dma_start3A_230 = arith.constant 0 : i32
      %dma_start3A_231 = tpu.memref_slice %arg4[%dma_start3A_222, %dma_start3A_229, %dma_start3A_230] : memref<4x33280x128xi32, #tpu.memory_space<hbm>> -> memref<1x33280x128xi32, #tpu.memory_space<hbm>>
      %dma_start3A_232 = tpu.memref_squeeze %dma_start3A_231 : memref<1x33280x128xi32, #tpu.memory_space<hbm>> -> memref<33280x128xi32, #tpu.memory_space<hbm>>
      %dma_start3A_233 = arith.constant 0 : i32
      %dma_start3A_234 = tpu.memref_slice %dma_start3A_232[%add3A_221, %dma_start3A_233] : memref<33280x128xi32, #tpu.memory_space<hbm>> -> memref<40x128xi32, #tpu.memory_space<hbm>>
      tpu.enqueue_dma source(%arg8 : memref<40x128xi32, #tpu.memory_space<vmem>>) target(%dma_start3A_234 : memref<40x128xi32, #tpu.memory_space<hbm>>) target_semaphore(%arg16 : memref<!tpu.dma_semaphore, #tpu.memory_space<semaphore_mem>>)
      %mul3A_235 = arith.constant 40 : i32
      %mul3A_236 = arith.muli %add3A_158, %mul3A_235 : i32
      %add3A_237 = arith.addi %mul3A_2, %mul3A_236 : i32
      %dma_start3A_238 = arith.constant 3 : i32
      %dma_start3A_239 = arith.constant 0 : i32
      %dma_start3A_240 = arith.constant 0 : i32
      %dma_start3A_241 = tpu.memref_slice %arg4[%dma_start3A_238, %dma_start3A_239, %dma_start3A_240] : memref<4x33280x128xi32, #tpu.memory_space<hbm>> -> memref<1x33280x128xi32, #tpu.memory_space<hbm>>
      %dma_start3A_242 = tpu.memref_squeeze %dma_start3A_241 : memref<1x33280x128xi32, #tpu.memory_space<hbm>> -> memref<33280x128xi32, #tpu.memory_space<hbm>>
      %dma_start3A_243 = arith.constant 0 : i32
      %dma_start3A_244 = tpu.memref_slice %dma_start3A_242[%add3A_237, %dma_start3A_243] : memref<33280x128xi32, #tpu.memory_space<hbm>> -> memref<40x128xi32, #tpu.memory_space<hbm>>
      %dma_start3A_245 = arith.constant 0 : i32
      %dma_start3A_246 = arith.constant 0 : i32
      %dma_start3A_247 = tpu.memref_slice %arg4[%dma_start3A_238, %dma_start3A_245, %dma_start3A_246] : memref<4x33280x128xi32, #tpu.memory_space<hbm>> -> memref<1x33280x128xi32, #tpu.memory_space<hbm>>
      %dma_start3A_248 = tpu.memref_squeeze %dma_start3A_247 : memref<1x33280x128xi32, #tpu.memory_space<hbm>> -> memref<33280x128xi32, #tpu.memory_space<hbm>>
      %dma_start3A_249 = arith.constant 0 : i32
      %dma_start3A_250 = tpu.memref_slice %dma_start3A_248[%add3A_237, %dma_start3A_249] : memref<33280x128xi32, #tpu.memory_space<hbm>> -> memref<40x128xi32, #tpu.memory_space<hbm>>
      tpu.enqueue_dma source(%arg9 : memref<40x128xi32, #tpu.memory_space<vmem>>) target(%dma_start3A_250 : memref<40x128xi32, #tpu.memory_space<hbm>>) target_semaphore(%arg16 : memref<!tpu.dma_semaphore, #tpu.memory_space<semaphore_mem>>)
      %add3A_251 = arith.constant 1 : i32
      %add3A_252 = arith.addi %add3A_158, %add3A_251 : i32
      %lt3A = arith.constant 26 : i32
      %lt3A_253 = arith.cmpi slt, %add3A_252, %lt3A : i32
      %convert_element_type3A = arith.extui %lt3A_253 : i1 to i32
      %cond3A = arith.constant 0 : i32
      %cond3A_254 = arith.cmpi ne, %convert_element_type3A, %cond3A : i32
      scf.if %cond3A_254 {
        %ge3A = arith.constant 1 : i32
        %ge3A_358 = arith.cmpi sge, %add3A_158, %ge3A : i32
        %convert_element_type3A_359 = arith.extui %ge3A_358 : i1 to i32
        %cond3A_360 = arith.constant 0 : i32
        %cond3A_361 = arith.cmpi ne, %convert_element_type3A_359, %cond3A_360 : i32
        scf.if %cond3A_361 {
          %sub3A = arith.constant 1 : i32
          %sub3A_404 = arith.subi %add3A_158, %sub3A : i32
          %mul3A_405 = arith.constant 40 : i32
          %mul3A_406 = arith.muli %sub3A_404, %mul3A_405 : i32
          %add3A_407 = arith.addi %mul3A_2, %mul3A_406 : i32
          %dma_wait3A_408 = arith.constant 0 : i32
          %dma_wait3A_409 = arith.constant 0 : i32
          %dma_wait3A_410 = arith.constant 0 : i32
          %dma_wait3A_411 = tpu.memref_slice %arg4[%dma_wait3A_408, %dma_wait3A_409, %dma_wait3A_410] : memref<4x33280x128xi32, #tpu.memory_space<hbm>> -> memref<1x33280x128xi32, #tpu.memory_space<hbm>>
          %dma_wait3A_412 = tpu.memref_squeeze %dma_wait3A_411 : memref<1x33280x128xi32, #tpu.memory_space<hbm>> -> memref<33280x128xi32, #tpu.memory_space<hbm>>
          %dma_wait3A_413 = arith.constant 0 : i32
          %dma_wait3A_414 = tpu.memref_slice %dma_wait3A_412[%add3A_407, %dma_wait3A_413] : memref<33280x128xi32, #tpu.memory_space<hbm>> -> memref<40x128xi32, #tpu.memory_space<hbm>>
          %dma_wait3A_415 = arith.constant 0 : i32
          %dma_wait3A_416 = arith.constant 0 : i32
          %dma_wait3A_417 = tpu.memref_slice %arg4[%dma_wait3A_408, %dma_wait3A_415, %dma_wait3A_416] : memref<4x33280x128xi32, #tpu.memory_space<hbm>> -> memref<1x33280x128xi32, #tpu.memory_space<hbm>>
          %dma_wait3A_418 = tpu.memref_squeeze %dma_wait3A_417 : memref<1x33280x128xi32, #tpu.memory_space<hbm>> -> memref<33280x128xi32, #tpu.memory_space<hbm>>
          %dma_wait3A_419 = arith.constant 0 : i32
          %dma_wait3A_420 = tpu.memref_slice %dma_wait3A_418[%add3A_407, %dma_wait3A_419] : memref<33280x128xi32, #tpu.memory_space<hbm>> -> memref<40x128xi32, #tpu.memory_space<hbm>>
          tpu.wait_dma2 semaphore(%arg17 : memref<!tpu.dma_semaphore, #tpu.memory_space<semaphore_mem>>) src(%arg10 : memref<40x128xi32, #tpu.memory_space<vmem>>) dst(%dma_wait3A_420 : memref<40x128xi32, #tpu.memory_space<hbm>>)
          %mul3A_421 = arith.constant 40 : i32
          %mul3A_422 = arith.muli %sub3A_404, %mul3A_421 : i32
          %add3A_423 = arith.addi %mul3A_2, %mul3A_422 : i32
          %dma_wait3A_424 = arith.constant 1 : i32
          %dma_wait3A_425 = arith.constant 0 : i32
          %dma_wait3A_426 = arith.constant 0 : i32
          %dma_wait3A_427 = tpu.memref_slice %arg4[%dma_wait3A_424, %dma_wait3A_425, %dma_wait3A_426] : memref<4x33280x128xi32, #tpu.memory_space<hbm>> -> memref<1x33280x128xi32, #tpu.memory_space<hbm>>
          %dma_wait3A_428 = tpu.memref_squeeze %dma_wait3A_427 : memref<1x33280x128xi32, #tpu.memory_space<hbm>> -> memref<33280x128xi32, #tpu.memory_space<hbm>>
          %dma_wait3A_429 = arith.constant 0 : i32
          %dma_wait3A_430 = tpu.memref_slice %dma_wait3A_428[%add3A_423, %dma_wait3A_429] : memref<33280x128xi32, #tpu.memory_space<hbm>> -> memref<40x128xi32, #tpu.memory_space<hbm>>
          %dma_wait3A_431 = arith.constant 0 : i32
          %dma_wait3A_432 = arith.constant 0 : i32
          %dma_wait3A_433 = tpu.memref_slice %arg4[%dma_wait3A_424, %dma_wait3A_431, %dma_wait3A_432] : memref<4x33280x128xi32, #tpu.memory_space<hbm>> -> memref<1x33280x128xi32, #tpu.memory_space<hbm>>
          %dma_wait3A_434 = tpu.memref_squeeze %dma_wait3A_433 : memref<1x33280x128xi32, #tpu.memory_space<hbm>> -> memref<33280x128xi32, #tpu.memory_space<hbm>>
          %dma_wait3A_435 = arith.constant 0 : i32
          %dma_wait3A_436 = tpu.memref_slice %dma_wait3A_434[%add3A_423, %dma_wait3A_435] : memref<33280x128xi32, #tpu.memory_space<hbm>> -> memref<40x128xi32, #tpu.memory_space<hbm>>
          tpu.wait_dma2 semaphore(%arg17 : memref<!tpu.dma_semaphore, #tpu.memory_space<semaphore_mem>>) src(%arg11 : memref<40x128xi32, #tpu.memory_space<vmem>>) dst(%dma_wait3A_436 : memref<40x128xi32, #tpu.memory_space<hbm>>)
          %mul3A_437 = arith.constant 40 : i32
          %mul3A_438 = arith.muli %sub3A_404, %mul3A_437 : i32
          %add3A_439 = arith.addi %mul3A_2, %mul3A_438 : i32
          %dma_wait3A_440 = arith.constant 2 : i32
          %dma_wait3A_441 = arith.constant 0 : i32
          %dma_wait3A_442 = arith.constant 0 : i32
          %dma_wait3A_443 = tpu.memref_slice %arg4[%dma_wait3A_440, %dma_wait3A_441, %dma_wait3A_442] : memref<4x33280x128xi32, #tpu.memory_space<hbm>> -> memref<1x33280x128xi32, #tpu.memory_space<hbm>>
          %dma_wait3A_444 = tpu.memref_squeeze %dma_wait3A_443 : memref<1x33280x128xi32, #tpu.memory_space<hbm>> -> memref<33280x128xi32, #tpu.memory_space<hbm>>
          %dma_wait3A_445 = arith.constant 0 : i32
          %dma_wait3A_446 = tpu.memref_slice %dma_wait3A_444[%add3A_439, %dma_wait3A_445] : memref<33280x128xi32, #tpu.memory_space<hbm>> -> memref<40x128xi32, #tpu.memory_space<hbm>>
          %dma_wait3A_447 = arith.constant 0 : i32
          %dma_wait3A_448 = arith.constant 0 : i32
          %dma_wait3A_449 = tpu.memref_slice %arg4[%dma_wait3A_440, %dma_wait3A_447, %dma_wait3A_448] : memref<4x33280x128xi32, #tpu.memory_space<hbm>> -> memref<1x33280x128xi32, #tpu.memory_space<hbm>>
          %dma_wait3A_450 = tpu.memref_squeeze %dma_wait3A_449 : memref<1x33280x128xi32, #tpu.memory_space<hbm>> -> memref<33280x128xi32, #tpu.memory_space<hbm>>
          %dma_wait3A_451 = arith.constant 0 : i32
          %dma_wait3A_452 = tpu.memref_slice %dma_wait3A_450[%add3A_439, %dma_wait3A_451] : memref<33280x128xi32, #tpu.memory_space<hbm>> -> memref<40x128xi32, #tpu.memory_space<hbm>>
          tpu.wait_dma2 semaphore(%arg17 : memref<!tpu.dma_semaphore, #tpu.memory_space<semaphore_mem>>) src(%arg12 : memref<40x128xi32, #tpu.memory_space<vmem>>) dst(%dma_wait3A_452 : memref<40x128xi32, #tpu.memory_space<hbm>>)
          %mul3A_453 = arith.constant 40 : i32
          %mul3A_454 = arith.muli %sub3A_404, %mul3A_453 : i32
          %add3A_455 = arith.addi %mul3A_2, %mul3A_454 : i32
          %dma_wait3A_456 = arith.constant 3 : i32
          %dma_wait3A_457 = arith.constant 0 : i32
          %dma_wait3A_458 = arith.constant 0 : i32
          %dma_wait3A_459 = tpu.memref_slice %arg4[%dma_wait3A_456, %dma_wait3A_457, %dma_wait3A_458] : memref<4x33280x128xi32, #tpu.memory_space<hbm>> -> memref<1x33280x128xi32, #tpu.memory_space<hbm>>
          %dma_wait3A_460 = tpu.memref_squeeze %dma_wait3A_459 : memref<1x33280x128xi32, #tpu.memory_space<hbm>> -> memref<33280x128xi32, #tpu.memory_space<hbm>>
          %dma_wait3A_461 = arith.constant 0 : i32
          %dma_wait3A_462 = tpu.memref_slice %dma_wait3A_460[%add3A_455, %dma_wait3A_461] : memref<33280x128xi32, #tpu.memory_space<hbm>> -> memref<40x128xi32, #tpu.memory_space<hbm>>
          %dma_wait3A_463 = arith.constant 0 : i32
          %dma_wait3A_464 = arith.constant 0 : i32
          %dma_wait3A_465 = tpu.memref_slice %arg4[%dma_wait3A_456, %dma_wait3A_463, %dma_wait3A_464] : memref<4x33280x128xi32, #tpu.memory_space<hbm>> -> memref<1x33280x128xi32, #tpu.memory_space<hbm>>
          %dma_wait3A_466 = tpu.memref_squeeze %dma_wait3A_465 : memref<1x33280x128xi32, #tpu.memory_space<hbm>> -> memref<33280x128xi32, #tpu.memory_space<hbm>>
          %dma_wait3A_467 = arith.constant 0 : i32
          %dma_wait3A_468 = tpu.memref_slice %dma_wait3A_466[%add3A_455, %dma_wait3A_467] : memref<33280x128xi32, #tpu.memory_space<hbm>> -> memref<40x128xi32, #tpu.memory_space<hbm>>
          tpu.wait_dma2 semaphore(%arg17 : memref<!tpu.dma_semaphore, #tpu.memory_space<semaphore_mem>>) src(%arg13 : memref<40x128xi32, #tpu.memory_space<vmem>>) dst(%dma_wait3A_468 : memref<40x128xi32, #tpu.memory_space<hbm>>)
        } else {
        }
        %add3A_362 = arith.constant 1 : i32
        %add3A_363 = arith.addi %add3A_158, %add3A_362 : i32
        %mul3A_364 = arith.constant 4 : i32
        %mul3A_365 = arith.muli %add3A_363, %mul3A_364 : i32
        %add3A_366 = arith.constant 0 : i32
        %add3A_367 = arith.addi %mul3A_365, %add3A_366 : i32
        %dma_start3A_368 = arith.constant 0 : i32
        %dma_start3A_369 = tpu.memref_slice %arg5[%add3A_367, %dma_start3A_368] : memref<104x40xi32, #tpu.memory_space<vmem>> -> memref<1x40xi32, #tpu.memory_space<vmem>>
        %dma_start3A_370 = tpu.memref_squeeze %dma_start3A_369 : memref<1x40xi32, #tpu.memory_space<vmem>> -> memref<40xi32, #tpu.memory_space<vmem>>
        %dma_start3A_371 = arith.constant 0 : i32
        %dma_start3A_372 = arith.constant 0 : i32
        %dma_start3A_373 = tpu.memref_slice %arg2[%dma_start3A_371, %dma_start3A_372] : memref<16384x128xi32, #tpu.memory_space<hbm>> -> memref<16384x128xi32, #tpu.memory_space<hbm>>
        tpu.enqueue_indirect_dma source(%dma_start3A_373 : memref<16384x128xi32, #tpu.memory_space<hbm>>) target(%arg10 : memref<40x128xi32, #tpu.memory_space<vmem>>) offsets(%dma_start3A_370 : memref<40xi32, #tpu.memory_space<vmem>>) semaphore(%arg15 : memref<!tpu.dma_semaphore, #tpu.memory_space<semaphore_mem>>)
        %mul3A_374 = arith.constant 4 : i32
        %mul3A_375 = arith.muli %add3A_363, %mul3A_374 : i32
        %add3A_376 = arith.constant 1 : i32
        %add3A_377 = arith.addi %mul3A_375, %add3A_376 : i32
        %dma_start3A_378 = arith.constant 0 : i32
        %dma_start3A_379 = tpu.memref_slice %arg5[%add3A_377, %dma_start3A_378] : memref<104x40xi32, #tpu.memory_space<vmem>> -> memref<1x40xi32, #tpu.memory_space<vmem>>
        %dma_start3A_380 = tpu.memref_squeeze %dma_start3A_379 : memref<1x40xi32, #tpu.memory_space<vmem>> -> memref<40xi32, #tpu.memory_space<vmem>>
        %dma_start3A_381 = arith.constant 0 : i32
        %dma_start3A_382 = arith.constant 0 : i32
        %dma_start3A_383 = tpu.memref_slice %arg2[%dma_start3A_381, %dma_start3A_382] : memref<16384x128xi32, #tpu.memory_space<hbm>> -> memref<16384x128xi32, #tpu.memory_space<hbm>>
        tpu.enqueue_indirect_dma source(%dma_start3A_383 : memref<16384x128xi32, #tpu.memory_space<hbm>>) target(%arg11 : memref<40x128xi32, #tpu.memory_space<vmem>>) offsets(%dma_start3A_380 : memref<40xi32, #tpu.memory_space<vmem>>) semaphore(%arg15 : memref<!tpu.dma_semaphore, #tpu.memory_space<semaphore_mem>>)
        %mul3A_384 = arith.constant 4 : i32
        %mul3A_385 = arith.muli %add3A_363, %mul3A_384 : i32
        %add3A_386 = arith.constant 2 : i32
        %add3A_387 = arith.addi %mul3A_385, %add3A_386 : i32
        %dma_start3A_388 = arith.constant 0 : i32
        %dma_start3A_389 = tpu.memref_slice %arg5[%add3A_387, %dma_start3A_388] : memref<104x40xi32, #tpu.memory_space<vmem>> -> memref<1x40xi32, #tpu.memory_space<vmem>>
        %dma_start3A_390 = tpu.memref_squeeze %dma_start3A_389 : memref<1x40xi32, #tpu.memory_space<vmem>> -> memref<40xi32, #tpu.memory_space<vmem>>
        %dma_start3A_391 = arith.constant 0 : i32
        %dma_start3A_392 = arith.constant 0 : i32
        %dma_start3A_393 = tpu.memref_slice %arg2[%dma_start3A_391, %dma_start3A_392] : memref<16384x128xi32, #tpu.memory_space<hbm>> -> memref<16384x128xi32, #tpu.memory_space<hbm>>
        tpu.enqueue_indirect_dma source(%dma_start3A_393 : memref<16384x128xi32, #tpu.memory_space<hbm>>) target(%arg12 : memref<40x128xi32, #tpu.memory_space<vmem>>) offsets(%dma_start3A_390 : memref<40xi32, #tpu.memory_space<vmem>>) semaphore(%arg15 : memref<!tpu.dma_semaphore, #tpu.memory_space<semaphore_mem>>)
        %mul3A_394 = arith.constant 4 : i32
        %mul3A_395 = arith.muli %add3A_363, %mul3A_394 : i32
        %add3A_396 = arith.constant 3 : i32
        %add3A_397 = arith.addi %mul3A_395, %add3A_396 : i32
        %dma_start3A_398 = arith.constant 0 : i32
        %dma_start3A_399 = tpu.memref_slice %arg5[%add3A_397, %dma_start3A_398] : memref<104x40xi32, #tpu.memory_space<vmem>> -> memref<1x40xi32, #tpu.memory_space<vmem>>
        %dma_start3A_400 = tpu.memref_squeeze %dma_start3A_399 : memref<1x40xi32, #tpu.memory_space<vmem>> -> memref<40xi32, #tpu.memory_space<vmem>>
        %dma_start3A_401 = arith.constant 0 : i32
        %dma_start3A_402 = arith.constant 0 : i32
        %dma_start3A_403 = tpu.memref_slice %arg2[%dma_start3A_401, %dma_start3A_402] : memref<16384x128xi32, #tpu.memory_space<hbm>> -> memref<16384x128xi32, #tpu.memory_space<hbm>>
        tpu.enqueue_indirect_dma source(%dma_start3A_403 : memref<16384x128xi32, #tpu.memory_space<hbm>>) target(%arg13 : memref<40x128xi32, #tpu.memory_space<vmem>>) offsets(%dma_start3A_400 : memref<40xi32, #tpu.memory_space<vmem>>) semaphore(%arg15 : memref<!tpu.dma_semaphore, #tpu.memory_space<semaphore_mem>>)
      } else {
      }
      %mul3A_255 = arith.constant 2 : i32
      %mul3A_256 = arith.muli %scan3A_154, %mul3A_255 : i32
      %add3A_257 = arith.constant 1 : i32
      %add3A_258 = arith.addi %mul3A_256, %add3A_257 : i32
      %dma_wait3A_259 = arith.constant 0 : i32
      %dma_wait3A_260 = arith.constant 0 : i32
      %dma_wait3A_261 = tpu.memref_slice %arg5[%dma_wait3A_259, %dma_wait3A_260] : memref<104x40xi32, #tpu.memory_space<vmem>> -> memref<1x40xi32, #tpu.memory_space<vmem>>
      %dma_wait3A_262 = tpu.memref_squeeze %dma_wait3A_261 : memref<1x40xi32, #tpu.memory_space<vmem>> -> memref<40xi32, #tpu.memory_space<vmem>>
      %dma_wait3A_263 = arith.constant 0 : i32
      %dma_wait3A_264 = arith.constant 0 : i32
      %dma_wait3A_265 = tpu.memref_slice %arg2[%dma_wait3A_263, %dma_wait3A_264] : memref<16384x128xi32, #tpu.memory_space<hbm>> -> memref<16384x128xi32, #tpu.memory_space<hbm>>
      tpu.wait_indirect_dma semaphore(%arg15 : memref<!tpu.dma_semaphore, #tpu.memory_space<semaphore_mem>>) src(%dma_wait3A_265 : memref<16384x128xi32, #tpu.memory_space<hbm>>) dst(%arg10 : memref<40x128xi32, #tpu.memory_space<vmem>>)
      %dma_wait3A_266 = arith.constant 1 : i32
      %dma_wait3A_267 = arith.constant 0 : i32
      %dma_wait3A_268 = tpu.memref_slice %arg5[%dma_wait3A_266, %dma_wait3A_267] : memref<104x40xi32, #tpu.memory_space<vmem>> -> memref<1x40xi32, #tpu.memory_space<vmem>>
      %dma_wait3A_269 = tpu.memref_squeeze %dma_wait3A_268 : memref<1x40xi32, #tpu.memory_space<vmem>> -> memref<40xi32, #tpu.memory_space<vmem>>
      %dma_wait3A_270 = arith.constant 0 : i32
      %dma_wait3A_271 = arith.constant 0 : i32
      %dma_wait3A_272 = tpu.memref_slice %arg2[%dma_wait3A_270, %dma_wait3A_271] : memref<16384x128xi32, #tpu.memory_space<hbm>> -> memref<16384x128xi32, #tpu.memory_space<hbm>>
      tpu.wait_indirect_dma semaphore(%arg15 : memref<!tpu.dma_semaphore, #tpu.memory_space<semaphore_mem>>) src(%dma_wait3A_272 : memref<16384x128xi32, #tpu.memory_space<hbm>>) dst(%arg11 : memref<40x128xi32, #tpu.memory_space<vmem>>)
      %dma_wait3A_273 = arith.constant 2 : i32
      %dma_wait3A_274 = arith.constant 0 : i32
      %dma_wait3A_275 = tpu.memref_slice %arg5[%dma_wait3A_273, %dma_wait3A_274] : memref<104x40xi32, #tpu.memory_space<vmem>> -> memref<1x40xi32, #tpu.memory_space<vmem>>
      %dma_wait3A_276 = tpu.memref_squeeze %dma_wait3A_275 : memref<1x40xi32, #tpu.memory_space<vmem>> -> memref<40xi32, #tpu.memory_space<vmem>>
      %dma_wait3A_277 = arith.constant 0 : i32
      %dma_wait3A_278 = arith.constant 0 : i32
      %dma_wait3A_279 = tpu.memref_slice %arg2[%dma_wait3A_277, %dma_wait3A_278] : memref<16384x128xi32, #tpu.memory_space<hbm>> -> memref<16384x128xi32, #tpu.memory_space<hbm>>
      tpu.wait_indirect_dma semaphore(%arg15 : memref<!tpu.dma_semaphore, #tpu.memory_space<semaphore_mem>>) src(%dma_wait3A_279 : memref<16384x128xi32, #tpu.memory_space<hbm>>) dst(%arg12 : memref<40x128xi32, #tpu.memory_space<vmem>>)
      %dma_wait3A_280 = arith.constant 3 : i32
      %dma_wait3A_281 = arith.constant 0 : i32
      %dma_wait3A_282 = tpu.memref_slice %arg5[%dma_wait3A_280, %dma_wait3A_281] : memref<104x40xi32, #tpu.memory_space<vmem>> -> memref<1x40xi32, #tpu.memory_space<vmem>>
      %dma_wait3A_283 = tpu.memref_squeeze %dma_wait3A_282 : memref<1x40xi32, #tpu.memory_space<vmem>> -> memref<40xi32, #tpu.memory_space<vmem>>
      %dma_wait3A_284 = arith.constant 0 : i32
      %dma_wait3A_285 = arith.constant 0 : i32
      %dma_wait3A_286 = tpu.memref_slice %arg2[%dma_wait3A_284, %dma_wait3A_285] : memref<16384x128xi32, #tpu.memory_space<hbm>> -> memref<16384x128xi32, #tpu.memory_space<hbm>>
      tpu.wait_indirect_dma semaphore(%arg15 : memref<!tpu.dma_semaphore, #tpu.memory_space<semaphore_mem>>) src(%dma_wait3A_286 : memref<16384x128xi32, #tpu.memory_space<hbm>>) dst(%arg13 : memref<40x128xi32, #tpu.memory_space<vmem>>)
      %mul3A_287 = arith.constant 40 : i32
      %mul3A_288 = arith.muli %add3A_258, %mul3A_287 : i32
      %add3A_289 = arith.addi %mul3A_2, %mul3A_288 : i32
      %dma_start3A_290 = arith.constant 0 : i32
      %dma_start3A_291 = arith.constant 0 : i32
      %dma_start3A_292 = arith.constant 0 : i32
      %dma_start3A_293 = tpu.memref_slice %arg4[%dma_start3A_290, %dma_start3A_291, %dma_start3A_292] : memref<4x33280x128xi32, #tpu.memory_space<hbm>> -> memref<1x33280x128xi32, #tpu.memory_space<hbm>>
      %dma_start3A_294 = tpu.memref_squeeze %dma_start3A_293 : memref<1x33280x128xi32, #tpu.memory_space<hbm>> -> memref<33280x128xi32, #tpu.memory_space<hbm>>
      %dma_start3A_295 = arith.constant 0 : i32
      %dma_start3A_296 = tpu.memref_slice %dma_start3A_294[%add3A_289, %dma_start3A_295] : memref<33280x128xi32, #tpu.memory_space<hbm>> -> memref<40x128xi32, #tpu.memory_space<hbm>>
      %dma_start3A_297 = arith.constant 0 : i32
      %dma_start3A_298 = arith.constant 0 : i32
      %dma_start3A_299 = tpu.memref_slice %arg4[%dma_start3A_290, %dma_start3A_297, %dma_start3A_298] : memref<4x33280x128xi32, #tpu.memory_space<hbm>> -> memref<1x33280x128xi32, #tpu.memory_space<hbm>>
      %dma_start3A_300 = tpu.memref_squeeze %dma_start3A_299 : memref<1x33280x128xi32, #tpu.memory_space<hbm>> -> memref<33280x128xi32, #tpu.memory_space<hbm>>
      %dma_start3A_301 = arith.constant 0 : i32
      %dma_start3A_302 = tpu.memref_slice %dma_start3A_300[%add3A_289, %dma_start3A_301] : memref<33280x128xi32, #tpu.memory_space<hbm>> -> memref<40x128xi32, #tpu.memory_space<hbm>>
      tpu.enqueue_dma source(%arg10 : memref<40x128xi32, #tpu.memory_space<vmem>>) target(%dma_start3A_302 : memref<40x128xi32, #tpu.memory_space<hbm>>) target_semaphore(%arg17 : memref<!tpu.dma_semaphore, #tpu.memory_space<semaphore_mem>>)
      %mul3A_303 = arith.constant 40 : i32
      %mul3A_304 = arith.muli %add3A_258, %mul3A_303 : i32
      %add3A_305 = arith.addi %mul3A_2, %mul3A_304 : i32
      %dma_start3A_306 = arith.constant 1 : i32
      %dma_start3A_307 = arith.constant 0 : i32
      %dma_start3A_308 = arith.constant 0 : i32
      %dma_start3A_309 = tpu.memref_slice %arg4[%dma_start3A_306, %dma_start3A_307, %dma_start3A_308] : memref<4x33280x128xi32, #tpu.memory_space<hbm>> -> memref<1x33280x128xi32, #tpu.memory_space<hbm>>
      %dma_start3A_310 = tpu.memref_squeeze %dma_start3A_309 : memref<1x33280x128xi32, #tpu.memory_space<hbm>> -> memref<33280x128xi32, #tpu.memory_space<hbm>>
      %dma_start3A_311 = arith.constant 0 : i32
      %dma_start3A_312 = tpu.memref_slice %dma_start3A_310[%add3A_305, %dma_start3A_311] : memref<33280x128xi32, #tpu.memory_space<hbm>> -> memref<40x128xi32, #tpu.memory_space<hbm>>
      %dma_start3A_313 = arith.constant 0 : i32
      %dma_start3A_314 = arith.constant 0 : i32
      %dma_start3A_315 = tpu.memref_slice %arg4[%dma_start3A_306, %dma_start3A_313, %dma_start3A_314] : memref<4x33280x128xi32, #tpu.memory_space<hbm>> -> memref<1x33280x128xi32, #tpu.memory_space<hbm>>
      %dma_start3A_316 = tpu.memref_squeeze %dma_start3A_315 : memref<1x33280x128xi32, #tpu.memory_space<hbm>> -> memref<33280x128xi32, #tpu.memory_space<hbm>>
      %dma_start3A_317 = arith.constant 0 : i32
      %dma_start3A_318 = tpu.memref_slice %dma_start3A_316[%add3A_305, %dma_start3A_317] : memref<33280x128xi32, #tpu.memory_space<hbm>> -> memref<40x128xi32, #tpu.memory_space<hbm>>
      tpu.enqueue_dma source(%arg11 : memref<40x128xi32, #tpu.memory_space<vmem>>) target(%dma_start3A_318 : memref<40x128xi32, #tpu.memory_space<hbm>>) target_semaphore(%arg17 : memref<!tpu.dma_semaphore, #tpu.memory_space<semaphore_mem>>)
      %mul3A_319 = arith.constant 40 : i32
      %mul3A_320 = arith.muli %add3A_258, %mul3A_319 : i32
      %add3A_321 = arith.addi %mul3A_2, %mul3A_320 : i32
      %dma_start3A_322 = arith.constant 2 : i32
      %dma_start3A_323 = arith.constant 0 : i32
      %dma_start3A_324 = arith.constant 0 : i32
      %dma_start3A_325 = tpu.memref_slice %arg4[%dma_start3A_322, %dma_start3A_323, %dma_start3A_324] : memref<4x33280x128xi32, #tpu.memory_space<hbm>> -> memref<1x33280x128xi32, #tpu.memory_space<hbm>>
      %dma_start3A_326 = tpu.memref_squeeze %dma_start3A_325 : memref<1x33280x128xi32, #tpu.memory_space<hbm>> -> memref<33280x128xi32, #tpu.memory_space<hbm>>
      %dma_start3A_327 = arith.constant 0 : i32
      %dma_start3A_328 = tpu.memref_slice %dma_start3A_326[%add3A_321, %dma_start3A_327] : memref<33280x128xi32, #tpu.memory_space<hbm>> -> memref<40x128xi32, #tpu.memory_space<hbm>>
      %dma_start3A_329 = arith.constant 0 : i32
      %dma_start3A_330 = arith.constant 0 : i32
      %dma_start3A_331 = tpu.memref_slice %arg4[%dma_start3A_322, %dma_start3A_329, %dma_start3A_330] : memref<4x33280x128xi32, #tpu.memory_space<hbm>> -> memref<1x33280x128xi32, #tpu.memory_space<hbm>>
      %dma_start3A_332 = tpu.memref_squeeze %dma_start3A_331 : memref<1x33280x128xi32, #tpu.memory_space<hbm>> -> memref<33280x128xi32, #tpu.memory_space<hbm>>
      %dma_start3A_333 = arith.constant 0 : i32
      %dma_start3A_334 = tpu.memref_slice %dma_start3A_332[%add3A_321, %dma_start3A_333] : memref<33280x128xi32, #tpu.memory_space<hbm>> -> memref<40x128xi32, #tpu.memory_space<hbm>>
      tpu.enqueue_dma source(%arg12 : memref<40x128xi32, #tpu.memory_space<vmem>>) target(%dma_start3A_334 : memref<40x128xi32, #tpu.memory_space<hbm>>) target_semaphore(%arg17 : memref<!tpu.dma_semaphore, #tpu.memory_space<semaphore_mem>>)
      %mul3A_335 = arith.constant 40 : i32
      %mul3A_336 = arith.muli %add3A_258, %mul3A_335 : i32
      %add3A_337 = arith.addi %mul3A_2, %mul3A_336 : i32
      %dma_start3A_338 = arith.constant 3 : i32
      %dma_start3A_339 = arith.constant 0 : i32
      %dma_start3A_340 = arith.constant 0 : i32
      %dma_start3A_341 = tpu.memref_slice %arg4[%dma_start3A_338, %dma_start3A_339, %dma_start3A_340] : memref<4x33280x128xi32, #tpu.memory_space<hbm>> -> memref<1x33280x128xi32, #tpu.memory_space<hbm>>
      %dma_start3A_342 = tpu.memref_squeeze %dma_start3A_341 : memref<1x33280x128xi32, #tpu.memory_space<hbm>> -> memref<33280x128xi32, #tpu.memory_space<hbm>>
      %dma_start3A_343 = arith.constant 0 : i32
      %dma_start3A_344 = tpu.memref_slice %dma_start3A_342[%add3A_337, %dma_start3A_343] : memref<33280x128xi32, #tpu.memory_space<hbm>> -> memref<40x128xi32, #tpu.memory_space<hbm>>
      %dma_start3A_345 = arith.constant 0 : i32
      %dma_start3A_346 = arith.constant 0 : i32
      %dma_start3A_347 = tpu.memref_slice %arg4[%dma_start3A_338, %dma_start3A_345, %dma_start3A_346] : memref<4x33280x128xi32, #tpu.memory_space<hbm>> -> memref<1x33280x128xi32, #tpu.memory_space<hbm>>
      %dma_start3A_348 = tpu.memref_squeeze %dma_start3A_347 : memref<1x33280x128xi32, #tpu.memory_space<hbm>> -> memref<33280x128xi32, #tpu.memory_space<hbm>>
      %dma_start3A_349 = arith.constant 0 : i32
      %dma_start3A_350 = tpu.memref_slice %dma_start3A_348[%add3A_337, %dma_start3A_349] : memref<33280x128xi32, #tpu.memory_space<hbm>> -> memref<40x128xi32, #tpu.memory_space<hbm>>
      tpu.enqueue_dma source(%arg13 : memref<40x128xi32, #tpu.memory_space<vmem>>) target(%dma_start3A_350 : memref<40x128xi32, #tpu.memory_space<hbm>>) target_semaphore(%arg17 : memref<!tpu.dma_semaphore, #tpu.memory_space<semaphore_mem>>)
      %add3A_351 = arith.constant 1 : i32
      %add3A_352 = arith.addi %add3A_258, %add3A_351 : i32
      %lt3A_353 = arith.constant 26 : i32
      %lt3A_354 = arith.cmpi slt, %add3A_352, %lt3A_353 : i32
      %convert_element_type3A_355 = arith.extui %lt3A_354 : i1 to i32
      %cond3A_356 = arith.constant 0 : i32
      %cond3A_357 = arith.cmpi ne, %convert_element_type3A_355, %cond3A_356 : i32
      scf.if %cond3A_357 {
        %ge3A = arith.constant 1 : i32
        %ge3A_358 = arith.cmpi sge, %add3A_258, %ge3A : i32
        %convert_element_type3A_359 = arith.extui %ge3A_358 : i1 to i32
        %cond3A_360 = arith.constant 0 : i32
        %cond3A_361 = arith.cmpi ne, %convert_element_type3A_359, %cond3A_360 : i32
        scf.if %cond3A_361 {
          %sub3A = arith.constant 1 : i32
          %sub3A_404 = arith.subi %add3A_258, %sub3A : i32
          %mul3A_405 = arith.constant 40 : i32
          %mul3A_406 = arith.muli %sub3A_404, %mul3A_405 : i32
          %add3A_407 = arith.addi %mul3A_2, %mul3A_406 : i32
          %dma_wait3A_408 = arith.constant 0 : i32
          %dma_wait3A_409 = arith.constant 0 : i32
          %dma_wait3A_410 = arith.constant 0 : i32
          %dma_wait3A_411 = tpu.memref_slice %arg4[%dma_wait3A_408, %dma_wait3A_409, %dma_wait3A_410] : memref<4x33280x128xi32, #tpu.memory_space<hbm>> -> memref<1x33280x128xi32, #tpu.memory_space<hbm>>
          %dma_wait3A_412 = tpu.memref_squeeze %dma_wait3A_411 : memref<1x33280x128xi32, #tpu.memory_space<hbm>> -> memref<33280x128xi32, #tpu.memory_space<hbm>>
          %dma_wait3A_413 = arith.constant 0 : i32
          %dma_wait3A_414 = tpu.memref_slice %dma_wait3A_412[%add3A_407, %dma_wait3A_413] : memref<33280x128xi32, #tpu.memory_space<hbm>> -> memref<40x128xi32, #tpu.memory_space<hbm>>
          %dma_wait3A_415 = arith.constant 0 : i32
          %dma_wait3A_416 = arith.constant 0 : i32
          %dma_wait3A_417 = tpu.memref_slice %arg4[%dma_wait3A_408, %dma_wait3A_415, %dma_wait3A_416] : memref<4x33280x128xi32, #tpu.memory_space<hbm>> -> memref<1x33280x128xi32, #tpu.memory_space<hbm>>
          %dma_wait3A_418 = tpu.memref_squeeze %dma_wait3A_417 : memref<1x33280x128xi32, #tpu.memory_space<hbm>> -> memref<33280x128xi32, #tpu.memory_space<hbm>>
          %dma_wait3A_419 = arith.constant 0 : i32
          %dma_wait3A_420 = tpu.memref_slice %dma_wait3A_418[%add3A_407, %dma_wait3A_419] : memref<33280x128xi32, #tpu.memory_space<hbm>> -> memref<40x128xi32, #tpu.memory_space<hbm>>
          tpu.wait_dma2 semaphore(%arg16 : memref<!tpu.dma_semaphore, #tpu.memory_space<semaphore_mem>>) src(%arg6 : memref<40x128xi32, #tpu.memory_space<vmem>>) dst(%dma_wait3A_420 : memref<40x128xi32, #tpu.memory_space<hbm>>)
          %mul3A_421 = arith.constant 40 : i32
          %mul3A_422 = arith.muli %sub3A_404, %mul3A_421 : i32
          %add3A_423 = arith.addi %mul3A_2, %mul3A_422 : i32
          %dma_wait3A_424 = arith.constant 1 : i32
          %dma_wait3A_425 = arith.constant 0 : i32
          %dma_wait3A_426 = arith.constant 0 : i32
          %dma_wait3A_427 = tpu.memref_slice %arg4[%dma_wait3A_424, %dma_wait3A_425, %dma_wait3A_426] : memref<4x33280x128xi32, #tpu.memory_space<hbm>> -> memref<1x33280x128xi32, #tpu.memory_space<hbm>>
          %dma_wait3A_428 = tpu.memref_squeeze %dma_wait3A_427 : memref<1x33280x128xi32, #tpu.memory_space<hbm>> -> memref<33280x128xi32, #tpu.memory_space<hbm>>
          %dma_wait3A_429 = arith.constant 0 : i32
          %dma_wait3A_430 = tpu.memref_slice %dma_wait3A_428[%add3A_423, %dma_wait3A_429] : memref<33280x128xi32, #tpu.memory_space<hbm>> -> memref<40x128xi32, #tpu.memory_space<hbm>>
          %dma_wait3A_431 = arith.constant 0 : i32
          %dma_wait3A_432 = arith.constant 0 : i32
          %dma_wait3A_433 = tpu.memref_slice %arg4[%dma_wait3A_424, %dma_wait3A_431, %dma_wait3A_432] : memref<4x33280x128xi32, #tpu.memory_space<hbm>> -> memref<1x33280x128xi32, #tpu.memory_space<hbm>>
          %dma_wait3A_434 = tpu.memref_squeeze %dma_wait3A_433 : memref<1x33280x128xi32, #tpu.memory_space<hbm>> -> memref<33280x128xi32, #tpu.memory_space<hbm>>
          %dma_wait3A_435 = arith.constant 0 : i32
          %dma_wait3A_436 = tpu.memref_slice %dma_wait3A_434[%add3A_423, %dma_wait3A_435] : memref<33280x128xi32, #tpu.memory_space<hbm>> -> memref<40x128xi32, #tpu.memory_space<hbm>>
          tpu.wait_dma2 semaphore(%arg16 : memref<!tpu.dma_semaphore, #tpu.memory_space<semaphore_mem>>) src(%arg7 : memref<40x128xi32, #tpu.memory_space<vmem>>) dst(%dma_wait3A_436 : memref<40x128xi32, #tpu.memory_space<hbm>>)
          %mul3A_437 = arith.constant 40 : i32
          %mul3A_438 = arith.muli %sub3A_404, %mul3A_437 : i32
          %add3A_439 = arith.addi %mul3A_2, %mul3A_438 : i32
          %dma_wait3A_440 = arith.constant 2 : i32
          %dma_wait3A_441 = arith.constant 0 : i32
          %dma_wait3A_442 = arith.constant 0 : i32
          %dma_wait3A_443 = tpu.memref_slice %arg4[%dma_wait3A_440, %dma_wait3A_441, %dma_wait3A_442] : memref<4x33280x128xi32, #tpu.memory_space<hbm>> -> memref<1x33280x128xi32, #tpu.memory_space<hbm>>
          %dma_wait3A_444 = tpu.memref_squeeze %dma_wait3A_443 : memref<1x33280x128xi32, #tpu.memory_space<hbm>> -> memref<33280x128xi32, #tpu.memory_space<hbm>>
          %dma_wait3A_445 = arith.constant 0 : i32
          %dma_wait3A_446 = tpu.memref_slice %dma_wait3A_444[%add3A_439, %dma_wait3A_445] : memref<33280x128xi32, #tpu.memory_space<hbm>> -> memref<40x128xi32, #tpu.memory_space<hbm>>
          %dma_wait3A_447 = arith.constant 0 : i32
          %dma_wait3A_448 = arith.constant 0 : i32
          %dma_wait3A_449 = tpu.memref_slice %arg4[%dma_wait3A_440, %dma_wait3A_447, %dma_wait3A_448] : memref<4x33280x128xi32, #tpu.memory_space<hbm>> -> memref<1x33280x128xi32, #tpu.memory_space<hbm>>
          %dma_wait3A_450 = tpu.memref_squeeze %dma_wait3A_449 : memref<1x33280x128xi32, #tpu.memory_space<hbm>> -> memref<33280x128xi32, #tpu.memory_space<hbm>>
          %dma_wait3A_451 = arith.constant 0 : i32
          %dma_wait3A_452 = tpu.memref_slice %dma_wait3A_450[%add3A_439, %dma_wait3A_451] : memref<33280x128xi32, #tpu.memory_space<hbm>> -> memref<40x128xi32, #tpu.memory_space<hbm>>
          tpu.wait_dma2 semaphore(%arg16 : memref<!tpu.dma_semaphore, #tpu.memory_space<semaphore_mem>>) src(%arg8 : memref<40x128xi32, #tpu.memory_space<vmem>>) dst(%dma_wait3A_452 : memref<40x128xi32, #tpu.memory_space<hbm>>)
          %mul3A_453 = arith.constant 40 : i32
          %mul3A_454 = arith.muli %sub3A_404, %mul3A_453 : i32
          %add3A_455 = arith.addi %mul3A_2, %mul3A_454 : i32
          %dma_wait3A_456 = arith.constant 3 : i32
          %dma_wait3A_457 = arith.constant 0 : i32
          %dma_wait3A_458 = arith.constant 0 : i32
          %dma_wait3A_459 = tpu.memref_slice %arg4[%dma_wait3A_456, %dma_wait3A_457, %dma_wait3A_458] : memref<4x33280x128xi32, #tpu.memory_space<hbm>> -> memref<1x33280x128xi32, #tpu.memory_space<hbm>>
          %dma_wait3A_460 = tpu.memref_squeeze %dma_wait3A_459 : memref<1x33280x128xi32, #tpu.memory_space<hbm>> -> memref<33280x128xi32, #tpu.memory_space<hbm>>
          %dma_wait3A_461 = arith.constant 0 : i32
          %dma_wait3A_462 = tpu.memref_slice %dma_wait3A_460[%add3A_455, %dma_wait3A_461] : memref<33280x128xi32, #tpu.memory_space<hbm>> -> memref<40x128xi32, #tpu.memory_space<hbm>>
          %dma_wait3A_463 = arith.constant 0 : i32
          %dma_wait3A_464 = arith.constant 0 : i32
          %dma_wait3A_465 = tpu.memref_slice %arg4[%dma_wait3A_456, %dma_wait3A_463, %dma_wait3A_464] : memref<4x33280x128xi32, #tpu.memory_space<hbm>> -> memref<1x33280x128xi32, #tpu.memory_space<hbm>>
          %dma_wait3A_466 = tpu.memref_squeeze %dma_wait3A_465 : memref<1x33280x128xi32, #tpu.memory_space<hbm>> -> memref<33280x128xi32, #tpu.memory_space<hbm>>
          %dma_wait3A_467 = arith.constant 0 : i32
          %dma_wait3A_468 = tpu.memref_slice %dma_wait3A_466[%add3A_455, %dma_wait3A_467] : memref<33280x128xi32, #tpu.memory_space<hbm>> -> memref<40x128xi32, #tpu.memory_space<hbm>>
          tpu.wait_dma2 semaphore(%arg16 : memref<!tpu.dma_semaphore, #tpu.memory_space<semaphore_mem>>) src(%arg9 : memref<40x128xi32, #tpu.memory_space<vmem>>) dst(%dma_wait3A_468 : memref<40x128xi32, #tpu.memory_space<hbm>>)
        } else {
        }
        %add3A_362 = arith.constant 1 : i32
        %add3A_363 = arith.addi %add3A_258, %add3A_362 : i32
        %mul3A_364 = arith.constant 4 : i32
        %mul3A_365 = arith.muli %add3A_363, %mul3A_364 : i32
        %add3A_366 = arith.constant 0 : i32
        %add3A_367 = arith.addi %mul3A_365, %add3A_366 : i32
        %dma_start3A_368 = arith.constant 0 : i32
        %dma_start3A_369 = tpu.memref_slice %arg5[%add3A_367, %dma_start3A_368] : memref<104x40xi32, #tpu.memory_space<vmem>> -> memref<1x40xi32, #tpu.memory_space<vmem>>
        %dma_start3A_370 = tpu.memref_squeeze %dma_start3A_369 : memref<1x40xi32, #tpu.memory_space<vmem>> -> memref<40xi32, #tpu.memory_space<vmem>>
        %dma_start3A_371 = arith.constant 0 : i32
        %dma_start3A_372 = arith.constant 0 : i32
        %dma_start3A_373 = tpu.memref_slice %arg2[%dma_start3A_371, %dma_start3A_372] : memref<16384x128xi32, #tpu.memory_space<hbm>> -> memref<16384x128xi32, #tpu.memory_space<hbm>>
        tpu.enqueue_indirect_dma source(%dma_start3A_373 : memref<16384x128xi32, #tpu.memory_space<hbm>>) target(%arg6 : memref<40x128xi32, #tpu.memory_space<vmem>>) offsets(%dma_start3A_370 : memref<40xi32, #tpu.memory_space<vmem>>) semaphore(%arg14 : memref<!tpu.dma_semaphore, #tpu.memory_space<semaphore_mem>>)
        %mul3A_374 = arith.constant 4 : i32
        %mul3A_375 = arith.muli %add3A_363, %mul3A_374 : i32
        %add3A_376 = arith.constant 1 : i32
        %add3A_377 = arith.addi %mul3A_375, %add3A_376 : i32
        %dma_start3A_378 = arith.constant 0 : i32
        %dma_start3A_379 = tpu.memref_slice %arg5[%add3A_377, %dma_start3A_378] : memref<104x40xi32, #tpu.memory_space<vmem>> -> memref<1x40xi32, #tpu.memory_space<vmem>>
        %dma_start3A_380 = tpu.memref_squeeze %dma_start3A_379 : memref<1x40xi32, #tpu.memory_space<vmem>> -> memref<40xi32, #tpu.memory_space<vmem>>
        %dma_start3A_381 = arith.constant 0 : i32
        %dma_start3A_382 = arith.constant 0 : i32
        %dma_start3A_383 = tpu.memref_slice %arg2[%dma_start3A_381, %dma_start3A_382] : memref<16384x128xi32, #tpu.memory_space<hbm>> -> memref<16384x128xi32, #tpu.memory_space<hbm>>
        tpu.enqueue_indirect_dma source(%dma_start3A_383 : memref<16384x128xi32, #tpu.memory_space<hbm>>) target(%arg7 : memref<40x128xi32, #tpu.memory_space<vmem>>) offsets(%dma_start3A_380 : memref<40xi32, #tpu.memory_space<vmem>>) semaphore(%arg14 : memref<!tpu.dma_semaphore, #tpu.memory_space<semaphore_mem>>)
        %mul3A_384 = arith.constant 4 : i32
        %mul3A_385 = arith.muli %add3A_363, %mul3A_384 : i32
        %add3A_386 = arith.constant 2 : i32
        %add3A_387 = arith.addi %mul3A_385, %add3A_386 : i32
        %dma_start3A_388 = arith.constant 0 : i32
        %dma_start3A_389 = tpu.memref_slice %arg5[%add3A_387, %dma_start3A_388] : memref<104x40xi32, #tpu.memory_space<vmem>> -> memref<1x40xi32, #tpu.memory_space<vmem>>
        %dma_start3A_390 = tpu.memref_squeeze %dma_start3A_389 : memref<1x40xi32, #tpu.memory_space<vmem>> -> memref<40xi32, #tpu.memory_space<vmem>>
        %dma_start3A_391 = arith.constant 0 : i32
        %dma_start3A_392 = arith.constant 0 : i32
        %dma_start3A_393 = tpu.memref_slice %arg2[%dma_start3A_391, %dma_start3A_392] : memref<16384x128xi32, #tpu.memory_space<hbm>> -> memref<16384x128xi32, #tpu.memory_space<hbm>>
        tpu.enqueue_indirect_dma source(%dma_start3A_393 : memref<16384x128xi32, #tpu.memory_space<hbm>>) target(%arg8 : memref<40x128xi32, #tpu.memory_space<vmem>>) offsets(%dma_start3A_390 : memref<40xi32, #tpu.memory_space<vmem>>) semaphore(%arg14 : memref<!tpu.dma_semaphore, #tpu.memory_space<semaphore_mem>>)
        %mul3A_394 = arith.constant 4 : i32
        %mul3A_395 = arith.muli %add3A_363, %mul3A_394 : i32
        %add3A_396 = arith.constant 3 : i32
        %add3A_397 = arith.addi %mul3A_395, %add3A_396 : i32
        %dma_start3A_398 = arith.constant 0 : i32
        %dma_start3A_399 = tpu.memref_slice %arg5[%add3A_397, %dma_start3A_398] : memref<104x40xi32, #tpu.memory_space<vmem>> -> memref<1x40xi32, #tpu.memory_space<vmem>>
        %dma_start3A_400 = tpu.memref_squeeze %dma_start3A_399 : memref<1x40xi32, #tpu.memory_space<vmem>> -> memref<40xi32, #tpu.memory_space<vmem>>
        %dma_start3A_401 = arith.constant 0 : i32
        %dma_start3A_402 = arith.constant 0 : i32
        %dma_start3A_403 = tpu.memref_slice %arg2[%dma_start3A_401, %dma_start3A_402] : memref<16384x128xi32, #tpu.memory_space<hbm>> -> memref<16384x128xi32, #tpu.memory_space<hbm>>
        tpu.enqueue_indirect_dma source(%dma_start3A_403 : memref<16384x128xi32, #tpu.memory_space<hbm>>) target(%arg9 : memref<40x128xi32, #tpu.memory_space<vmem>>) offsets(%dma_start3A_400 : memref<40xi32, #tpu.memory_space<vmem>>) semaphore(%arg14 : memref<!tpu.dma_semaphore, #tpu.memory_space<semaphore_mem>>)
      } else {
      }
    }
    %scan3A_34 = arith.constant 13 : i32
    %add3A_35 = arith.constant 960 : i32
    %add3A_36 = arith.addi %mul3A_2, %add3A_35 : i32
    %dma_wait3A = arith.constant 0 : i32
    %dma_wait3A_37 = arith.constant 0 : i32
    %dma_wait3A_38 = arith.constant 0 : i32
    %dma_wait3A_39 = tpu.memref_slice %arg4[%dma_wait3A, %dma_wait3A_37, %dma_wait3A_38] : memref<4x33280x128xi32, #tpu.memory_space<hbm>> -> memref<1x33280x128xi32, #tpu.memory_space<hbm>>
    %dma_wait3A_40 = tpu.memref_squeeze %dma_wait3A_39 : memref<1x33280x128xi32, #tpu.memory_space<hbm>> -> memref<33280x128xi32, #tpu.memory_space<hbm>>
    %dma_wait3A_41 = arith.constant 0 : i32
    %dma_wait3A_42 = tpu.memref_slice %dma_wait3A_40[%add3A_36, %dma_wait3A_41] : memref<33280x128xi32, #tpu.memory_space<hbm>> -> memref<40x128xi32, #tpu.memory_space<hbm>>
    %dma_wait3A_43 = arith.constant 0 : i32
    %dma_wait3A_44 = arith.constant 0 : i32
    %dma_wait3A_45 = tpu.memref_slice %arg4[%dma_wait3A, %dma_wait3A_43, %dma_wait3A_44] : memref<4x33280x128xi32, #tpu.memory_space<hbm>> -> memref<1x33280x128xi32, #tpu.memory_space<hbm>>
    %dma_wait3A_46 = tpu.memref_squeeze %dma_wait3A_45 : memref<1x33280x128xi32, #tpu.memory_space<hbm>> -> memref<33280x128xi32, #tpu.memory_space<hbm>>
    %dma_wait3A_47 = arith.constant 0 : i32
    %dma_wait3A_48 = tpu.memref_slice %dma_wait3A_46[%add3A_36, %dma_wait3A_47] : memref<33280x128xi32, #tpu.memory_space<hbm>> -> memref<40x128xi32, #tpu.memory_space<hbm>>
    tpu.wait_dma2 semaphore(%arg16 : memref<!tpu.dma_semaphore, #tpu.memory_space<semaphore_mem>>) src(%arg6 : memref<40x128xi32, #tpu.memory_space<vmem>>) dst(%dma_wait3A_48 : memref<40x128xi32, #tpu.memory_space<hbm>>)
    %add3A_49 = arith.constant 960 : i32
    %add3A_50 = arith.addi %mul3A_2, %add3A_49 : i32
    %dma_wait3A_51 = arith.constant 1 : i32
    %dma_wait3A_52 = arith.constant 0 : i32
    %dma_wait3A_53 = arith.constant 0 : i32
    %dma_wait3A_54 = tpu.memref_slice %arg4[%dma_wait3A_51, %dma_wait3A_52, %dma_wait3A_53] : memref<4x33280x128xi32, #tpu.memory_space<hbm>> -> memref<1x33280x128xi32, #tpu.memory_space<hbm>>
    %dma_wait3A_55 = tpu.memref_squeeze %dma_wait3A_54 : memref<1x33280x128xi32, #tpu.memory_space<hbm>> -> memref<33280x128xi32, #tpu.memory_space<hbm>>
    %dma_wait3A_56 = arith.constant 0 : i32
    %dma_wait3A_57 = tpu.memref_slice %dma_wait3A_55[%add3A_50, %dma_wait3A_56] : memref<33280x128xi32, #tpu.memory_space<hbm>> -> memref<40x128xi32, #tpu.memory_space<hbm>>
    %dma_wait3A_58 = arith.constant 0 : i32
    %dma_wait3A_59 = arith.constant 0 : i32
    %dma_wait3A_60 = tpu.memref_slice %arg4[%dma_wait3A_51, %dma_wait3A_58, %dma_wait3A_59] : memref<4x33280x128xi32, #tpu.memory_space<hbm>> -> memref<1x33280x128xi32, #tpu.memory_space<hbm>>
    %dma_wait3A_61 = tpu.memref_squeeze %dma_wait3A_60 : memref<1x33280x128xi32, #tpu.memory_space<hbm>> -> memref<33280x128xi32, #tpu.memory_space<hbm>>
    %dma_wait3A_62 = arith.constant 0 : i32
    %dma_wait3A_63 = tpu.memref_slice %dma_wait3A_61[%add3A_50, %dma_wait3A_62] : memref<33280x128xi32, #tpu.memory_space<hbm>> -> memref<40x128xi32, #tpu.memory_space<hbm>>
    tpu.wait_dma2 semaphore(%arg16 : memref<!tpu.dma_semaphore, #tpu.memory_space<semaphore_mem>>) src(%arg7 : memref<40x128xi32, #tpu.memory_space<vmem>>) dst(%dma_wait3A_63 : memref<40x128xi32, #tpu.memory_space<hbm>>)
    %add3A_64 = arith.constant 960 : i32
    %add3A_65 = arith.addi %mul3A_2, %add3A_64 : i32
    %dma_wait3A_66 = arith.constant 2 : i32
    %dma_wait3A_67 = arith.constant 0 : i32
    %dma_wait3A_68 = arith.constant 0 : i32
    %dma_wait3A_69 = tpu.memref_slice %arg4[%dma_wait3A_66, %dma_wait3A_67, %dma_wait3A_68] : memref<4x33280x128xi32, #tpu.memory_space<hbm>> -> memref<1x33280x128xi32, #tpu.memory_space<hbm>>
    %dma_wait3A_70 = tpu.memref_squeeze %dma_wait3A_69 : memref<1x33280x128xi32, #tpu.memory_space<hbm>> -> memref<33280x128xi32, #tpu.memory_space<hbm>>
    %dma_wait3A_71 = arith.constant 0 : i32
    %dma_wait3A_72 = tpu.memref_slice %dma_wait3A_70[%add3A_65, %dma_wait3A_71] : memref<33280x128xi32, #tpu.memory_space<hbm>> -> memref<40x128xi32, #tpu.memory_space<hbm>>
    %dma_wait3A_73 = arith.constant 0 : i32
    %dma_wait3A_74 = arith.constant 0 : i32
    %dma_wait3A_75 = tpu.memref_slice %arg4[%dma_wait3A_66, %dma_wait3A_73, %dma_wait3A_74] : memref<4x33280x128xi32, #tpu.memory_space<hbm>> -> memref<1x33280x128xi32, #tpu.memory_space<hbm>>
    %dma_wait3A_76 = tpu.memref_squeeze %dma_wait3A_75 : memref<1x33280x128xi32, #tpu.memory_space<hbm>> -> memref<33280x128xi32, #tpu.memory_space<hbm>>
    %dma_wait3A_77 = arith.constant 0 : i32
    %dma_wait3A_78 = tpu.memref_slice %dma_wait3A_76[%add3A_65, %dma_wait3A_77] : memref<33280x128xi32, #tpu.memory_space<hbm>> -> memref<40x128xi32, #tpu.memory_space<hbm>>
    tpu.wait_dma2 semaphore(%arg16 : memref<!tpu.dma_semaphore, #tpu.memory_space<semaphore_mem>>) src(%arg8 : memref<40x128xi32, #tpu.memory_space<vmem>>) dst(%dma_wait3A_78 : memref<40x128xi32, #tpu.memory_space<hbm>>)
    %add3A_79 = arith.constant 960 : i32
    %add3A_80 = arith.addi %mul3A_2, %add3A_79 : i32
    %dma_wait3A_81 = arith.constant 3 : i32
    %dma_wait3A_82 = arith.constant 0 : i32
    %dma_wait3A_83 = arith.constant 0 : i32
    %dma_wait3A_84 = tpu.memref_slice %arg4[%dma_wait3A_81, %dma_wait3A_82, %dma_wait3A_83] : memref<4x33280x128xi32, #tpu.memory_space<hbm>> -> memref<1x33280x128xi32, #tpu.memory_space<hbm>>
    %dma_wait3A_85 = tpu.memref_squeeze %dma_wait3A_84 : memref<1x33280x128xi32, #tpu.memory_space<hbm>> -> memref<33280x128xi32, #tpu.memory_space<hbm>>
    %dma_wait3A_86 = arith.constant 0 : i32
    %dma_wait3A_87 = tpu.memref_slice %dma_wait3A_85[%add3A_80, %dma_wait3A_86] : memref<33280x128xi32, #tpu.memory_space<hbm>> -> memref<40x128xi32, #tpu.memory_space<hbm>>
    %dma_wait3A_88 = arith.constant 0 : i32
    %dma_wait3A_89 = arith.constant 0 : i32
    %dma_wait3A_90 = tpu.memref_slice %arg4[%dma_wait3A_81, %dma_wait3A_88, %dma_wait3A_89] : memref<4x33280x128xi32, #tpu.memory_space<hbm>> -> memref<1x33280x128xi32, #tpu.memory_space<hbm>>
    %dma_wait3A_91 = tpu.memref_squeeze %dma_wait3A_90 : memref<1x33280x128xi32, #tpu.memory_space<hbm>> -> memref<33280x128xi32, #tpu.memory_space<hbm>>
    %dma_wait3A_92 = arith.constant 0 : i32
    %dma_wait3A_93 = tpu.memref_slice %dma_wait3A_91[%add3A_80, %dma_wait3A_92] : memref<33280x128xi32, #tpu.memory_space<hbm>> -> memref<40x128xi32, #tpu.memory_space<hbm>>
    tpu.wait_dma2 semaphore(%arg16 : memref<!tpu.dma_semaphore, #tpu.memory_space<semaphore_mem>>) src(%arg9 : memref<40x128xi32, #tpu.memory_space<vmem>>) dst(%dma_wait3A_93 : memref<40x128xi32, #tpu.memory_space<hbm>>)
    %add3A_94 = arith.constant 1000 : i32
    %add3A_95 = arith.addi %mul3A_2, %add3A_94 : i32
    %dma_wait3A_96 = arith.constant 0 : i32
    %dma_wait3A_97 = arith.constant 0 : i32
    %dma_wait3A_98 = arith.constant 0 : i32
    %dma_wait3A_99 = tpu.memref_slice %arg4[%dma_wait3A_96, %dma_wait3A_97, %dma_wait3A_98] : memref<4x33280x128xi32, #tpu.memory_space<hbm>> -> memref<1x33280x128xi32, #tpu.memory_space<hbm>>
    %dma_wait3A_100 = tpu.memref_squeeze %dma_wait3A_99 : memref<1x33280x128xi32, #tpu.memory_space<hbm>> -> memref<33280x128xi32, #tpu.memory_space<hbm>>
    %dma_wait3A_101 = arith.constant 0 : i32
    %dma_wait3A_102 = tpu.memref_slice %dma_wait3A_100[%add3A_95, %dma_wait3A_101] : memref<33280x128xi32, #tpu.memory_space<hbm>> -> memref<40x128xi32, #tpu.memory_space<hbm>>
    %dma_wait3A_103 = arith.constant 0 : i32
    %dma_wait3A_104 = arith.constant 0 : i32
    %dma_wait3A_105 = tpu.memref_slice %arg4[%dma_wait3A_96, %dma_wait3A_103, %dma_wait3A_104] : memref<4x33280x128xi32, #tpu.memory_space<hbm>> -> memref<1x33280x128xi32, #tpu.memory_space<hbm>>
    %dma_wait3A_106 = tpu.memref_squeeze %dma_wait3A_105 : memref<1x33280x128xi32, #tpu.memory_space<hbm>> -> memref<33280x128xi32, #tpu.memory_space<hbm>>
    %dma_wait3A_107 = arith.constant 0 : i32
    %dma_wait3A_108 = tpu.memref_slice %dma_wait3A_106[%add3A_95, %dma_wait3A_107] : memref<33280x128xi32, #tpu.memory_space<hbm>> -> memref<40x128xi32, #tpu.memory_space<hbm>>
    tpu.wait_dma2 semaphore(%arg17 : memref<!tpu.dma_semaphore, #tpu.memory_space<semaphore_mem>>) src(%arg10 : memref<40x128xi32, #tpu.memory_space<vmem>>) dst(%dma_wait3A_108 : memref<40x128xi32, #tpu.memory_space<hbm>>)
    %add3A_109 = arith.constant 1000 : i32
    %add3A_110 = arith.addi %mul3A_2, %add3A_109 : i32
    %dma_wait3A_111 = arith.constant 1 : i32
    %dma_wait3A_112 = arith.constant 0 : i32
    %dma_wait3A_113 = arith.constant 0 : i32
    %dma_wait3A_114 = tpu.memref_slice %arg4[%dma_wait3A_111, %dma_wait3A_112, %dma_wait3A_113] : memref<4x33280x128xi32, #tpu.memory_space<hbm>> -> memref<1x33280x128xi32, #tpu.memory_space<hbm>>
    %dma_wait3A_115 = tpu.memref_squeeze %dma_wait3A_114 : memref<1x33280x128xi32, #tpu.memory_space<hbm>> -> memref<33280x128xi32, #tpu.memory_space<hbm>>
    %dma_wait3A_116 = arith.constant 0 : i32
    %dma_wait3A_117 = tpu.memref_slice %dma_wait3A_115[%add3A_110, %dma_wait3A_116] : memref<33280x128xi32, #tpu.memory_space<hbm>> -> memref<40x128xi32, #tpu.memory_space<hbm>>
    %dma_wait3A_118 = arith.constant 0 : i32
    %dma_wait3A_119 = arith.constant 0 : i32
    %dma_wait3A_120 = tpu.memref_slice %arg4[%dma_wait3A_111, %dma_wait3A_118, %dma_wait3A_119] : memref<4x33280x128xi32, #tpu.memory_space<hbm>> -> memref<1x33280x128xi32, #tpu.memory_space<hbm>>
    %dma_wait3A_121 = tpu.memref_squeeze %dma_wait3A_120 : memref<1x33280x128xi32, #tpu.memory_space<hbm>> -> memref<33280x128xi32, #tpu.memory_space<hbm>>
    %dma_wait3A_122 = arith.constant 0 : i32
    %dma_wait3A_123 = tpu.memref_slice %dma_wait3A_121[%add3A_110, %dma_wait3A_122] : memref<33280x128xi32, #tpu.memory_space<hbm>> -> memref<40x128xi32, #tpu.memory_space<hbm>>
    tpu.wait_dma2 semaphore(%arg17 : memref<!tpu.dma_semaphore, #tpu.memory_space<semaphore_mem>>) src(%arg11 : memref<40x128xi32, #tpu.memory_space<vmem>>) dst(%dma_wait3A_123 : memref<40x128xi32, #tpu.memory_space<hbm>>)
    %add3A_124 = arith.constant 1000 : i32
    %add3A_125 = arith.addi %mul3A_2, %add3A_124 : i32
    %dma_wait3A_126 = arith.constant 2 : i32
    %dma_wait3A_127 = arith.constant 0 : i32
    %dma_wait3A_128 = arith.constant 0 : i32
    %dma_wait3A_129 = tpu.memref_slice %arg4[%dma_wait3A_126, %dma_wait3A_127, %dma_wait3A_128] : memref<4x33280x128xi32, #tpu.memory_space<hbm>> -> memref<1x33280x128xi32, #tpu.memory_space<hbm>>
    %dma_wait3A_130 = tpu.memref_squeeze %dma_wait3A_129 : memref<1x33280x128xi32, #tpu.memory_space<hbm>> -> memref<33280x128xi32, #tpu.memory_space<hbm>>
    %dma_wait3A_131 = arith.constant 0 : i32
    %dma_wait3A_132 = tpu.memref_slice %dma_wait3A_130[%add3A_125, %dma_wait3A_131] : memref<33280x128xi32, #tpu.memory_space<hbm>> -> memref<40x128xi32, #tpu.memory_space<hbm>>
    %dma_wait3A_133 = arith.constant 0 : i32
    %dma_wait3A_134 = arith.constant 0 : i32
    %dma_wait3A_135 = tpu.memref_slice %arg4[%dma_wait3A_126, %dma_wait3A_133, %dma_wait3A_134] : memref<4x33280x128xi32, #tpu.memory_space<hbm>> -> memref<1x33280x128xi32, #tpu.memory_space<hbm>>
    %dma_wait3A_136 = tpu.memref_squeeze %dma_wait3A_135 : memref<1x33280x128xi32, #tpu.memory_space<hbm>> -> memref<33280x128xi32, #tpu.memory_space<hbm>>
    %dma_wait3A_137 = arith.constant 0 : i32
    %dma_wait3A_138 = tpu.memref_slice %dma_wait3A_136[%add3A_125, %dma_wait3A_137] : memref<33280x128xi32, #tpu.memory_space<hbm>> -> memref<40x128xi32, #tpu.memory_space<hbm>>
    tpu.wait_dma2 semaphore(%arg17 : memref<!tpu.dma_semaphore, #tpu.memory_space<semaphore_mem>>) src(%arg12 : memref<40x128xi32, #tpu.memory_space<vmem>>) dst(%dma_wait3A_138 : memref<40x128xi32, #tpu.memory_space<hbm>>)
    %add3A_139 = arith.constant 1000 : i32
    %add3A_140 = arith.addi %mul3A_2, %add3A_139 : i32
    %dma_wait3A_141 = arith.constant 3 : i32
    %dma_wait3A_142 = arith.constant 0 : i32
    %dma_wait3A_143 = arith.constant 0 : i32
    %dma_wait3A_144 = tpu.memref_slice %arg4[%dma_wait3A_141, %dma_wait3A_142, %dma_wait3A_143] : memref<4x33280x128xi32, #tpu.memory_space<hbm>> -> memref<1x33280x128xi32, #tpu.memory_space<hbm>>
    %dma_wait3A_145 = tpu.memref_squeeze %dma_wait3A_144 : memref<1x33280x128xi32, #tpu.memory_space<hbm>> -> memref<33280x128xi32, #tpu.memory_space<hbm>>
    %dma_wait3A_146 = arith.constant 0 : i32
    %dma_wait3A_147 = tpu.memref_slice %dma_wait3A_145[%add3A_140, %dma_wait3A_146] : memref<33280x128xi32, #tpu.memory_space<hbm>> -> memref<40x128xi32, #tpu.memory_space<hbm>>
    %dma_wait3A_148 = arith.constant 0 : i32
    %dma_wait3A_149 = arith.constant 0 : i32
    %dma_wait3A_150 = tpu.memref_slice %arg4[%dma_wait3A_141, %dma_wait3A_148, %dma_wait3A_149] : memref<4x33280x128xi32, #tpu.memory_space<hbm>> -> memref<1x33280x128xi32, #tpu.memory_space<hbm>>
    %dma_wait3A_151 = tpu.memref_squeeze %dma_wait3A_150 : memref<1x33280x128xi32, #tpu.memory_space<hbm>> -> memref<33280x128xi32, #tpu.memory_space<hbm>>
    %dma_wait3A_152 = arith.constant 0 : i32
    %dma_wait3A_153 = tpu.memref_slice %dma_wait3A_151[%add3A_140, %dma_wait3A_152] : memref<33280x128xi32, #tpu.memory_space<hbm>> -> memref<40x128xi32, #tpu.memory_space<hbm>>
    tpu.wait_dma2 semaphore(%arg17 : memref<!tpu.dma_semaphore, #tpu.memory_space<semaphore_mem>>) src(%arg13 : memref<40x128xi32, #tpu.memory_space<vmem>>) dst(%dma_wait3A_153 : memref<40x128xi32, #tpu.memory_space<hbm>>)
    return
  }
}

module attributes {stable_mosaic.version = 14 : i64} {
  func.func @_loss_body(%arg0: i32, %arg1: memref<4x64x128xi32, #tpu.memory_space<vmem>>, %arg2: memref<4x4096x128xi32, #tpu.memory_space<vmem>>, %arg3: memref<64x4xf32, #tpu.memory_space<vmem>>, %arg4: memref<4096x4xf32, #tpu.memory_space<vmem>>, %arg5: memref<1x1x64xf32, #tpu.memory_space<vmem>>, %arg6: memref<1x1x64xf32, #tpu.memory_space<vmem>>, %arg7: memref<1x1x4096xf32, #tpu.memory_space<vmem>>, %arg8: memref<1x1x4096xf32, #tpu.memory_space<vmem>>, %arg9: memref<1x1xf32, #tpu.memory_space<smem>>) attributes {dimension_semantics = [#tpu.dimension_semantics<arbitrary>], iteration_bounds = array<i64: 8>, scalar_prefetch = 0 : i64, scratch_operands = 0 : i64, tpu.core_type = #tpu.core_type<tc>, window_params = [{transform_indices = @transform_0, window_bounds = array<i64: 4, 64, 128>}, {transform_indices = @transform_1, window_bounds = array<i64: 4, 4096, 128>}, {transform_indices = @transform_2, window_bounds = array<i64: 64, 4>}, {transform_indices = @transform_3, window_bounds = array<i64: 4096, 4>}, {transform_indices = @transform_4, window_bounds = array<i64: 1, 1, 64>}, {transform_indices = @transform_5, window_bounds = array<i64: 1, 1, 64>}, {transform_indices = @transform_6, window_bounds = array<i64: 1, 1, 4096>}, {transform_indices = @transform_7, window_bounds = array<i64: 1, 1, 4096>}, {transform_indices = @transform_8, window_bounds = array<i64: 1, 1>}]} {
    %get3A = arith.constant 0 : index
    %get3A_0 = arith.constant 0 : index
    %get3A_1 = vector.load %arg3[%get3A, %get3A_0] : memref<64x4xf32, #tpu.memory_space<vmem>>, vector<64x4xf32>
    %get3A_2 = arith.constant 0 : index
    %get3A_3 = arith.constant 0 : index
    %get3A_4 = vector.load %arg4[%get3A_2, %get3A_3] : memref<4096x4xf32, #tpu.memory_space<vmem>>, vector<4096x4xf32>
    %broadcast_in_dim3A = arith.constant 0.000000e+00 : f32
    %broadcast_in_dim3A_5 = vector.broadcast %broadcast_in_dim3A : f32 to vector<64x128xf32>
    %broadcast_in_dim3A_6 = arith.constant 0.000000e+00 : f32
    %broadcast_in_dim3A_7 = vector.broadcast %broadcast_in_dim3A_6 : f32 to vector<64x128xf32>
    %broadcast_in_dim3A_8 = arith.constant 0.000000e+00 : f32
    %broadcast_in_dim3A_9 = vector.broadcast %broadcast_in_dim3A_8 : f32 to vector<4096x128xf32>
    %broadcast_in_dim3A_10 = arith.constant 0.000000e+00 : f32
    %broadcast_in_dim3A_11 = vector.broadcast %broadcast_in_dim3A_10 : f32 to vector<4096x128xf32>
    %get3A_12 = arith.constant 0 : index
    %get3A_13 = arith.constant 0 : index
    %get3A_14 = arith.constant 0 : index
    %get3A_15 = vector.load %arg1[%get3A_12, %get3A_13, %get3A_14] : memref<4x64x128xi32, #tpu.memory_space<vmem>>, vector<1x64x128xi32>
    %get3A_16 = vector.shape_cast %get3A_15 : vector<1x64x128xi32> to vector<64x128xi32>
    %shift_left3A = arith.constant 16 : i32
    %shift_left3A_17 = vector.broadcast %shift_left3A : i32 to vector<64x128xi32>
    %shift_left3A_18 = arith.shli %get3A_16, %shift_left3A_17 : vector<64x128xi32>
    %bitcast_convert_type3A = tpu.bitcast %shift_left3A_18 : vector<64x128xi32> -> vector<64x128xf32>
    %and3A = arith.constant -65536 : i32
    %and3A_19 = vector.broadcast %and3A : i32 to vector<64x128xi32>
    %and3A_20 = arith.andi %get3A_16, %and3A_19 : vector<64x128xi32>
    %bitcast_convert_type3A_21 = tpu.bitcast %and3A_20 : vector<64x128xi32> -> vector<64x128xf32>
    %slice3A = vector.extract_strided_slice %get3A_1 {offsets = [0, 0], sizes = [64, 1], strides = [1, 1]} : vector<64x4xf32> to vector<64x1xf32>
    %squeeze3A = vector.shape_cast %slice3A : vector<64x1xf32> to vector<64xf32>
    %broadcast_in_dim3A_22 = vector.shape_cast %squeeze3A : vector<64xf32> to vector<64x1xf32>
    %mul3A = vector.broadcast %broadcast_in_dim3A_22 : vector<64x1xf32> to vector<64x128xf32>
    %mul3A_23 = arith.mulf %mul3A, %bitcast_convert_type3A : vector<64x128xf32>
    %add3A = arith.addf %broadcast_in_dim3A_5, %mul3A_23 : vector<64x128xf32>
    %slice3A_24 = vector.extract_strided_slice %get3A_1 {offsets = [0, 0], sizes = [64, 1], strides = [1, 1]} : vector<64x4xf32> to vector<64x1xf32>
    %squeeze3A_25 = vector.shape_cast %slice3A_24 : vector<64x1xf32> to vector<64xf32>
    %broadcast_in_dim3A_26 = vector.shape_cast %squeeze3A_25 : vector<64xf32> to vector<64x1xf32>
    %mul3A_27 = vector.broadcast %broadcast_in_dim3A_26 : vector<64x1xf32> to vector<64x128xf32>
    %mul3A_28 = arith.mulf %mul3A_27, %bitcast_convert_type3A_21 : vector<64x128xf32>
    %add3A_29 = arith.addf %broadcast_in_dim3A_7, %mul3A_28 : vector<64x128xf32>
    %get3A_30 = arith.constant 0 : index
    %get3A_31 = arith.constant 0 : index
    %get3A_32 = arith.constant 0 : index
    %get3A_33 = vector.load %arg2[%get3A_30, %get3A_31, %get3A_32] : memref<4x4096x128xi32, #tpu.memory_space<vmem>>, vector<1x4096x128xi32>
    %get3A_34 = vector.shape_cast %get3A_33 : vector<1x4096x128xi32> to vector<4096x128xi32>
    %shift_left3A_35 = arith.constant 16 : i32
    %shift_left3A_36 = vector.broadcast %shift_left3A_35 : i32 to vector<4096x128xi32>
    %shift_left3A_37 = arith.shli %get3A_34, %shift_left3A_36 : vector<4096x128xi32>
    %bitcast_convert_type3A_38 = tpu.bitcast %shift_left3A_37 : vector<4096x128xi32> -> vector<4096x128xf32>
    %and3A_39 = arith.constant -65536 : i32
    %and3A_40 = vector.broadcast %and3A_39 : i32 to vector<4096x128xi32>
    %and3A_41 = arith.andi %get3A_34, %and3A_40 : vector<4096x128xi32>
    %bitcast_convert_type3A_42 = tpu.bitcast %and3A_41 : vector<4096x128xi32> -> vector<4096x128xf32>
    %slice3A_43 = vector.extract_strided_slice %get3A_4 {offsets = [0, 0], sizes = [4096, 1], strides = [1, 1]} : vector<4096x4xf32> to vector<4096x1xf32>
    %squeeze3A_44 = vector.shape_cast %slice3A_43 : vector<4096x1xf32> to vector<4096xf32>
    %broadcast_in_dim3A_45 = vector.shape_cast %squeeze3A_44 : vector<4096xf32> to vector<4096x1xf32>
    %mul3A_46 = vector.broadcast %broadcast_in_dim3A_45 : vector<4096x1xf32> to vector<4096x128xf32>
    %mul3A_47 = arith.mulf %mul3A_46, %bitcast_convert_type3A_38 : vector<4096x128xf32>
    %add3A_48 = arith.addf %broadcast_in_dim3A_9, %mul3A_47 : vector<4096x128xf32>
    %slice3A_49 = vector.extract_strided_slice %get3A_4 {offsets = [0, 0], sizes = [4096, 1], strides = [1, 1]} : vector<4096x4xf32> to vector<4096x1xf32>
    %squeeze3A_50 = vector.shape_cast %slice3A_49 : vector<4096x1xf32> to vector<4096xf32>
    %broadcast_in_dim3A_51 = vector.shape_cast %squeeze3A_50 : vector<4096xf32> to vector<4096x1xf32>
    %mul3A_52 = vector.broadcast %broadcast_in_dim3A_51 : vector<4096x1xf32> to vector<4096x128xf32>
    %mul3A_53 = arith.mulf %mul3A_52, %bitcast_convert_type3A_42 : vector<4096x128xf32>
    %add3A_54 = arith.addf %broadcast_in_dim3A_11, %mul3A_53 : vector<4096x128xf32>
    %get3A_55 = arith.constant 1 : index
    %get3A_56 = arith.constant 0 : index
    %get3A_57 = arith.constant 0 : index
    %get3A_58 = vector.load %arg1[%get3A_55, %get3A_56, %get3A_57] : memref<4x64x128xi32, #tpu.memory_space<vmem>>, vector<1x64x128xi32>
    %get3A_59 = vector.shape_cast %get3A_58 : vector<1x64x128xi32> to vector<64x128xi32>
    %shift_left3A_60 = arith.constant 16 : i32
    %shift_left3A_61 = vector.broadcast %shift_left3A_60 : i32 to vector<64x128xi32>
    %shift_left3A_62 = arith.shli %get3A_59, %shift_left3A_61 : vector<64x128xi32>
    %bitcast_convert_type3A_63 = tpu.bitcast %shift_left3A_62 : vector<64x128xi32> -> vector<64x128xf32>
    %and3A_64 = arith.constant -65536 : i32
    %and3A_65 = vector.broadcast %and3A_64 : i32 to vector<64x128xi32>
    %and3A_66 = arith.andi %get3A_59, %and3A_65 : vector<64x128xi32>
    %bitcast_convert_type3A_67 = tpu.bitcast %and3A_66 : vector<64x128xi32> -> vector<64x128xf32>
    %slice3A_68 = vector.extract_strided_slice %get3A_1 {offsets = [0, 1], sizes = [64, 1], strides = [1, 1]} : vector<64x4xf32> to vector<64x1xf32>
    %squeeze3A_69 = vector.shape_cast %slice3A_68 : vector<64x1xf32> to vector<64xf32>
    %broadcast_in_dim3A_70 = vector.shape_cast %squeeze3A_69 : vector<64xf32> to vector<64x1xf32>
    %mul3A_71 = vector.broadcast %broadcast_in_dim3A_70 : vector<64x1xf32> to vector<64x128xf32>
    %mul3A_72 = arith.mulf %mul3A_71, %bitcast_convert_type3A_63 : vector<64x128xf32>
    %add3A_73 = arith.addf %add3A, %mul3A_72 : vector<64x128xf32>
    %slice3A_74 = vector.extract_strided_slice %get3A_1 {offsets = [0, 1], sizes = [64, 1], strides = [1, 1]} : vector<64x4xf32> to vector<64x1xf32>
    %squeeze3A_75 = vector.shape_cast %slice3A_74 : vector<64x1xf32> to vector<64xf32>
    %broadcast_in_dim3A_76 = vector.shape_cast %squeeze3A_75 : vector<64xf32> to vector<64x1xf32>
    %mul3A_77 = vector.broadcast %broadcast_in_dim3A_76 : vector<64x1xf32> to vector<64x128xf32>
    %mul3A_78 = arith.mulf %mul3A_77, %bitcast_convert_type3A_67 : vector<64x128xf32>
    %add3A_79 = arith.addf %add3A_29, %mul3A_78 : vector<64x128xf32>
    %get3A_80 = arith.constant 1 : index
    %get3A_81 = arith.constant 0 : index
    %get3A_82 = arith.constant 0 : index
    %get3A_83 = vector.load %arg2[%get3A_80, %get3A_81, %get3A_82] : memref<4x4096x128xi32, #tpu.memory_space<vmem>>, vector<1x4096x128xi32>
    %get3A_84 = vector.shape_cast %get3A_83 : vector<1x4096x128xi32> to vector<4096x128xi32>
    %shift_left3A_85 = arith.constant 16 : i32
    %shift_left3A_86 = vector.broadcast %shift_left3A_85 : i32 to vector<4096x128xi32>
    %shift_left3A_87 = arith.shli %get3A_84, %shift_left3A_86 : vector<4096x128xi32>
    %bitcast_convert_type3A_88 = tpu.bitcast %shift_left3A_87 : vector<4096x128xi32> -> vector<4096x128xf32>
    %and3A_89 = arith.constant -65536 : i32
    %and3A_90 = vector.broadcast %and3A_89 : i32 to vector<4096x128xi32>
    %and3A_91 = arith.andi %get3A_84, %and3A_90 : vector<4096x128xi32>
    %bitcast_convert_type3A_92 = tpu.bitcast %and3A_91 : vector<4096x128xi32> -> vector<4096x128xf32>
    %slice3A_93 = vector.extract_strided_slice %get3A_4 {offsets = [0, 1], sizes = [4096, 1], strides = [1, 1]} : vector<4096x4xf32> to vector<4096x1xf32>
    %squeeze3A_94 = vector.shape_cast %slice3A_93 : vector<4096x1xf32> to vector<4096xf32>
    %broadcast_in_dim3A_95 = vector.shape_cast %squeeze3A_94 : vector<4096xf32> to vector<4096x1xf32>
    %mul3A_96 = vector.broadcast %broadcast_in_dim3A_95 : vector<4096x1xf32> to vector<4096x128xf32>
    %mul3A_97 = arith.mulf %mul3A_96, %bitcast_convert_type3A_88 : vector<4096x128xf32>
    %add3A_98 = arith.addf %add3A_48, %mul3A_97 : vector<4096x128xf32>
    %slice3A_99 = vector.extract_strided_slice %get3A_4 {offsets = [0, 1], sizes = [4096, 1], strides = [1, 1]} : vector<4096x4xf32> to vector<4096x1xf32>
    %squeeze3A_100 = vector.shape_cast %slice3A_99 : vector<4096x1xf32> to vector<4096xf32>
    %broadcast_in_dim3A_101 = vector.shape_cast %squeeze3A_100 : vector<4096xf32> to vector<4096x1xf32>
    %mul3A_102 = vector.broadcast %broadcast_in_dim3A_101 : vector<4096x1xf32> to vector<4096x128xf32>
    %mul3A_103 = arith.mulf %mul3A_102, %bitcast_convert_type3A_92 : vector<4096x128xf32>
    %add3A_104 = arith.addf %add3A_54, %mul3A_103 : vector<4096x128xf32>
    %get3A_105 = arith.constant 2 : index
    %get3A_106 = arith.constant 0 : index
    %get3A_107 = arith.constant 0 : index
    %get3A_108 = vector.load %arg1[%get3A_105, %get3A_106, %get3A_107] : memref<4x64x128xi32, #tpu.memory_space<vmem>>, vector<1x64x128xi32>
    %get3A_109 = vector.shape_cast %get3A_108 : vector<1x64x128xi32> to vector<64x128xi32>
    %shift_left3A_110 = arith.constant 16 : i32
    %shift_left3A_111 = vector.broadcast %shift_left3A_110 : i32 to vector<64x128xi32>
    %shift_left3A_112 = arith.shli %get3A_109, %shift_left3A_111 : vector<64x128xi32>
    %bitcast_convert_type3A_113 = tpu.bitcast %shift_left3A_112 : vector<64x128xi32> -> vector<64x128xf32>
    %and3A_114 = arith.constant -65536 : i32
    %and3A_115 = vector.broadcast %and3A_114 : i32 to vector<64x128xi32>
    %and3A_116 = arith.andi %get3A_109, %and3A_115 : vector<64x128xi32>
    %bitcast_convert_type3A_117 = tpu.bitcast %and3A_116 : vector<64x128xi32> -> vector<64x128xf32>
    %slice3A_118 = vector.extract_strided_slice %get3A_1 {offsets = [0, 2], sizes = [64, 1], strides = [1, 1]} : vector<64x4xf32> to vector<64x1xf32>
    %squeeze3A_119 = vector.shape_cast %slice3A_118 : vector<64x1xf32> to vector<64xf32>
    %broadcast_in_dim3A_120 = vector.shape_cast %squeeze3A_119 : vector<64xf32> to vector<64x1xf32>
    %mul3A_121 = vector.broadcast %broadcast_in_dim3A_120 : vector<64x1xf32> to vector<64x128xf32>
    %mul3A_122 = arith.mulf %mul3A_121, %bitcast_convert_type3A_113 : vector<64x128xf32>
    %add3A_123 = arith.addf %add3A_73, %mul3A_122 : vector<64x128xf32>
    %slice3A_124 = vector.extract_strided_slice %get3A_1 {offsets = [0, 2], sizes = [64, 1], strides = [1, 1]} : vector<64x4xf32> to vector<64x1xf32>
    %squeeze3A_125 = vector.shape_cast %slice3A_124 : vector<64x1xf32> to vector<64xf32>
    %broadcast_in_dim3A_126 = vector.shape_cast %squeeze3A_125 : vector<64xf32> to vector<64x1xf32>
    %mul3A_127 = vector.broadcast %broadcast_in_dim3A_126 : vector<64x1xf32> to vector<64x128xf32>
    %mul3A_128 = arith.mulf %mul3A_127, %bitcast_convert_type3A_117 : vector<64x128xf32>
    %add3A_129 = arith.addf %add3A_79, %mul3A_128 : vector<64x128xf32>
    %get3A_130 = arith.constant 2 : index
    %get3A_131 = arith.constant 0 : index
    %get3A_132 = arith.constant 0 : index
    %get3A_133 = vector.load %arg2[%get3A_130, %get3A_131, %get3A_132] : memref<4x4096x128xi32, #tpu.memory_space<vmem>>, vector<1x4096x128xi32>
    %get3A_134 = vector.shape_cast %get3A_133 : vector<1x4096x128xi32> to vector<4096x128xi32>
    %shift_left3A_135 = arith.constant 16 : i32
    %shift_left3A_136 = vector.broadcast %shift_left3A_135 : i32 to vector<4096x128xi32>
    %shift_left3A_137 = arith.shli %get3A_134, %shift_left3A_136 : vector<4096x128xi32>
    %bitcast_convert_type3A_138 = tpu.bitcast %shift_left3A_137 : vector<4096x128xi32> -> vector<4096x128xf32>
    %and3A_139 = arith.constant -65536 : i32
    %and3A_140 = vector.broadcast %and3A_139 : i32 to vector<4096x128xi32>
    %and3A_141 = arith.andi %get3A_134, %and3A_140 : vector<4096x128xi32>
    %bitcast_convert_type3A_142 = tpu.bitcast %and3A_141 : vector<4096x128xi32> -> vector<4096x128xf32>
    %slice3A_143 = vector.extract_strided_slice %get3A_4 {offsets = [0, 2], sizes = [4096, 1], strides = [1, 1]} : vector<4096x4xf32> to vector<4096x1xf32>
    %squeeze3A_144 = vector.shape_cast %slice3A_143 : vector<4096x1xf32> to vector<4096xf32>
    %broadcast_in_dim3A_145 = vector.shape_cast %squeeze3A_144 : vector<4096xf32> to vector<4096x1xf32>
    %mul3A_146 = vector.broadcast %broadcast_in_dim3A_145 : vector<4096x1xf32> to vector<4096x128xf32>
    %mul3A_147 = arith.mulf %mul3A_146, %bitcast_convert_type3A_138 : vector<4096x128xf32>
    %add3A_148 = arith.addf %add3A_98, %mul3A_147 : vector<4096x128xf32>
    %slice3A_149 = vector.extract_strided_slice %get3A_4 {offsets = [0, 2], sizes = [4096, 1], strides = [1, 1]} : vector<4096x4xf32> to vector<4096x1xf32>
    %squeeze3A_150 = vector.shape_cast %slice3A_149 : vector<4096x1xf32> to vector<4096xf32>
    %broadcast_in_dim3A_151 = vector.shape_cast %squeeze3A_150 : vector<4096xf32> to vector<4096x1xf32>
    %mul3A_152 = vector.broadcast %broadcast_in_dim3A_151 : vector<4096x1xf32> to vector<4096x128xf32>
    %mul3A_153 = arith.mulf %mul3A_152, %bitcast_convert_type3A_142 : vector<4096x128xf32>
    %add3A_154 = arith.addf %add3A_104, %mul3A_153 : vector<4096x128xf32>
    %get3A_155 = arith.constant 3 : index
    %get3A_156 = arith.constant 0 : index
    %get3A_157 = arith.constant 0 : index
    %get3A_158 = vector.load %arg1[%get3A_155, %get3A_156, %get3A_157] : memref<4x64x128xi32, #tpu.memory_space<vmem>>, vector<1x64x128xi32>
    %get3A_159 = vector.shape_cast %get3A_158 : vector<1x64x128xi32> to vector<64x128xi32>
    %shift_left3A_160 = arith.constant 16 : i32
    %shift_left3A_161 = vector.broadcast %shift_left3A_160 : i32 to vector<64x128xi32>
    %shift_left3A_162 = arith.shli %get3A_159, %shift_left3A_161 : vector<64x128xi32>
    %bitcast_convert_type3A_163 = tpu.bitcast %shift_left3A_162 : vector<64x128xi32> -> vector<64x128xf32>
    %and3A_164 = arith.constant -65536 : i32
    %and3A_165 = vector.broadcast %and3A_164 : i32 to vector<64x128xi32>
    %and3A_166 = arith.andi %get3A_159, %and3A_165 : vector<64x128xi32>
    %bitcast_convert_type3A_167 = tpu.bitcast %and3A_166 : vector<64x128xi32> -> vector<64x128xf32>
    %slice3A_168 = vector.extract_strided_slice %get3A_1 {offsets = [0, 3], sizes = [64, 1], strides = [1, 1]} : vector<64x4xf32> to vector<64x1xf32>
    %squeeze3A_169 = vector.shape_cast %slice3A_168 : vector<64x1xf32> to vector<64xf32>
    %broadcast_in_dim3A_170 = vector.shape_cast %squeeze3A_169 : vector<64xf32> to vector<64x1xf32>
    %mul3A_171 = vector.broadcast %broadcast_in_dim3A_170 : vector<64x1xf32> to vector<64x128xf32>
    %mul3A_172 = arith.mulf %mul3A_171, %bitcast_convert_type3A_163 : vector<64x128xf32>
    %add3A_173 = arith.addf %add3A_123, %mul3A_172 : vector<64x128xf32>
    %slice3A_174 = vector.extract_strided_slice %get3A_1 {offsets = [0, 3], sizes = [64, 1], strides = [1, 1]} : vector<64x4xf32> to vector<64x1xf32>
    %squeeze3A_175 = vector.shape_cast %slice3A_174 : vector<64x1xf32> to vector<64xf32>
    %broadcast_in_dim3A_176 = vector.shape_cast %squeeze3A_175 : vector<64xf32> to vector<64x1xf32>
    %mul3A_177 = vector.broadcast %broadcast_in_dim3A_176 : vector<64x1xf32> to vector<64x128xf32>
    %mul3A_178 = arith.mulf %mul3A_177, %bitcast_convert_type3A_167 : vector<64x128xf32>
    %add3A_179 = arith.addf %add3A_129, %mul3A_178 : vector<64x128xf32>
    %get3A_180 = arith.constant 3 : index
    %get3A_181 = arith.constant 0 : index
    %get3A_182 = arith.constant 0 : index
    %get3A_183 = vector.load %arg2[%get3A_180, %get3A_181, %get3A_182] : memref<4x4096x128xi32, #tpu.memory_space<vmem>>, vector<1x4096x128xi32>
    %get3A_184 = vector.shape_cast %get3A_183 : vector<1x4096x128xi32> to vector<4096x128xi32>
    %shift_left3A_185 = arith.constant 16 : i32
    %shift_left3A_186 = vector.broadcast %shift_left3A_185 : i32 to vector<4096x128xi32>
    %shift_left3A_187 = arith.shli %get3A_184, %shift_left3A_186 : vector<4096x128xi32>
    %bitcast_convert_type3A_188 = tpu.bitcast %shift_left3A_187 : vector<4096x128xi32> -> vector<4096x128xf32>
    %and3A_189 = arith.constant -65536 : i32
    %and3A_190 = vector.broadcast %and3A_189 : i32 to vector<4096x128xi32>
    %and3A_191 = arith.andi %get3A_184, %and3A_190 : vector<4096x128xi32>
    %bitcast_convert_type3A_192 = tpu.bitcast %and3A_191 : vector<4096x128xi32> -> vector<4096x128xf32>
    %slice3A_193 = vector.extract_strided_slice %get3A_4 {offsets = [0, 3], sizes = [4096, 1], strides = [1, 1]} : vector<4096x4xf32> to vector<4096x1xf32>
    %squeeze3A_194 = vector.shape_cast %slice3A_193 : vector<4096x1xf32> to vector<4096xf32>
    %broadcast_in_dim3A_195 = vector.shape_cast %squeeze3A_194 : vector<4096xf32> to vector<4096x1xf32>
    %mul3A_196 = vector.broadcast %broadcast_in_dim3A_195 : vector<4096x1xf32> to vector<4096x128xf32>
    %mul3A_197 = arith.mulf %mul3A_196, %bitcast_convert_type3A_188 : vector<4096x128xf32>
    %add3A_198 = arith.addf %add3A_148, %mul3A_197 : vector<4096x128xf32>
    %slice3A_199 = vector.extract_strided_slice %get3A_4 {offsets = [0, 3], sizes = [4096, 1], strides = [1, 1]} : vector<4096x4xf32> to vector<4096x1xf32>
    %squeeze3A_200 = vector.shape_cast %slice3A_199 : vector<4096x1xf32> to vector<4096xf32>
    %broadcast_in_dim3A_201 = vector.shape_cast %squeeze3A_200 : vector<4096xf32> to vector<4096x1xf32>
    %mul3A_202 = vector.broadcast %broadcast_in_dim3A_201 : vector<4096x1xf32> to vector<4096x128xf32>
    %mul3A_203 = arith.mulf %mul3A_202, %bitcast_convert_type3A_192 : vector<4096x128xf32>
    %add3A_204 = arith.addf %add3A_154, %mul3A_203 : vector<4096x128xf32>
    %dot_general3A = arith.constant dense<0.000000e+00> : vector<64x4096xf32>
    %dot_general3A_205 = tpu.matmul %add3A_173, %add3A_198, %dot_general3A {dimension_numbers = #tpu.dot_dimension_numbers<[1], [1], [0], [0], [0, 0, 1, 0], [], []>, transpose_lhs_hint = false} : vector<64x128xf32>, vector<4096x128xf32>, vector<64x4096xf32> -> vector<64x4096xf32>
    %dot_general3A_206 = arith.constant dense<0.000000e+00> : vector<64x4096xf32>
    %dot_general3A_207 = tpu.matmul %add3A_179, %add3A_204, %dot_general3A_206 {dimension_numbers = #tpu.dot_dimension_numbers<[1], [1], [0], [0], [0, 0, 1, 0], [], []>, transpose_lhs_hint = false} : vector<64x128xf32>, vector<4096x128xf32>, vector<64x4096xf32> -> vector<64x4096xf32>
    %add3A_208 = arith.addf %dot_general3A_205, %dot_general3A_207 : vector<64x4096xf32>
    %mul3A_209 = arith.mulf %add3A_173, %add3A_173 : vector<64x128xf32>
    %reduce_sum3A = arith.constant dense<0.000000e+00> : vector<64xf32>
    %reduce_sum3A_210 = vector.multi_reduction <add>, %mul3A_209, %reduce_sum3A [1] : vector<64x128xf32> to vector<64xf32>
    %mul3A_211 = arith.mulf %add3A_179, %add3A_179 : vector<64x128xf32>
    %reduce_sum3A_212 = arith.constant dense<0.000000e+00> : vector<64xf32>
    %reduce_sum3A_213 = vector.multi_reduction <add>, %mul3A_211, %reduce_sum3A_212 [1] : vector<64x128xf32> to vector<64xf32>
    %add3A_214 = arith.addf %reduce_sum3A_210, %reduce_sum3A_213 : vector<64xf32>
    %sqrt3A = math.sqrt %add3A_214 : vector<64xf32>
    %broadcast_in_dim3A_215 = vector.shape_cast %sqrt3A : vector<64xf32> to vector<64x1xf32>
    %mul3A_216 = arith.mulf %add3A_198, %add3A_198 : vector<4096x128xf32>
    %reduce_sum3A_217 = arith.constant dense<0.000000e+00> : vector<4096xf32>
    %reduce_sum3A_218 = vector.multi_reduction <add>, %mul3A_216, %reduce_sum3A_217 [1] : vector<4096x128xf32> to vector<4096xf32>
    %mul3A_219 = arith.mulf %add3A_204, %add3A_204 : vector<4096x128xf32>
    %reduce_sum3A_220 = arith.constant dense<0.000000e+00> : vector<4096xf32>
    %reduce_sum3A_221 = vector.multi_reduction <add>, %mul3A_219, %reduce_sum3A_220 [1] : vector<4096x128xf32> to vector<4096xf32>
    %add3A_222 = arith.addf %reduce_sum3A_218, %reduce_sum3A_221 : vector<4096xf32>
    %sqrt3A_223 = math.sqrt %add3A_222 : vector<4096xf32>
    %broadcast_in_dim3A_224 = vector.shape_cast %sqrt3A_223 : vector<4096xf32> to vector<1x4096xf32>
    %mul3A_225 = vector.broadcast %broadcast_in_dim3A_215 : vector<64x1xf32> to vector<64x4096xf32>
    %mul3A_226 = vector.broadcast %broadcast_in_dim3A_224 : vector<1x4096xf32> to vector<64x4096xf32>
    %mul3A_227 = arith.mulf %mul3A_225, %mul3A_226 : vector<64x4096xf32>
    %max3A = arith.constant 9.99999993E-9 : f32
    %max3A_228 = vector.broadcast %max3A : f32 to vector<64x4096xf32>
    %max3A_229 = arith.maximumf %mul3A_227, %max3A_228 : vector<64x4096xf32>
    %mul3A_230 = arith.constant 5.000000e-01 : f32
    %mul3A_231 = vector.broadcast %mul3A_230 : f32 to vector<64x4096xf32>
    %mul3A_232 = arith.mulf %mul3A_231, %max3A_229 : vector<64x4096xf32>
    %ge3A = arith.cmpf oge, %add3A_208, %mul3A_232 : vector<64x4096xf32>
    %get3A_233 = arith.constant 0 : index
    %get3A_234 = arith.constant 0 : index
    %get3A_235 = arith.constant 0 : index
    %get3A_236 = vector.load %arg5[%get3A_233, %get3A_234, %get3A_235] : memref<1x1x64xf32, #tpu.memory_space<vmem>>, vector<1x1x64xf32>
    %get3A_237 = vector.shape_cast %get3A_236 : vector<1x1x64xf32> to vector<64xf32>
    %get3A_238 = arith.constant 0 : index
    %get3A_239 = arith.constant 0 : index
    %get3A_240 = arith.constant 0 : index
    %get3A_241 = vector.load %arg6[%get3A_238, %get3A_239, %get3A_240] : memref<1x1x64xf32, #tpu.memory_space<vmem>>, vector<1x1x64xf32>
    %get3A_242 = vector.shape_cast %get3A_241 : vector<1x1x64xf32> to vector<64xf32>
    %get3A_243 = arith.constant 0 : index
    %get3A_244 = arith.constant 0 : index
    %get3A_245 = arith.constant 0 : index
    %get3A_246 = vector.load %arg7[%get3A_243, %get3A_244, %get3A_245] : memref<1x1x4096xf32, #tpu.memory_space<vmem>>, vector<1x1x4096xf32>
    %get3A_247 = vector.shape_cast %get3A_246 : vector<1x1x4096xf32> to vector<4096xf32>
    %get3A_248 = arith.constant 0 : index
    %get3A_249 = arith.constant 0 : index
    %get3A_250 = arith.constant 0 : index
    %get3A_251 = vector.load %arg8[%get3A_248, %get3A_249, %get3A_250] : memref<1x1x4096xf32, #tpu.memory_space<vmem>>, vector<1x1x4096xf32>
    %get3A_252 = vector.shape_cast %get3A_251 : vector<1x1x4096xf32> to vector<4096xf32>
    %broadcast_in_dim3A_253 = vector.shape_cast %get3A_237 : vector<64xf32> to vector<64x1xf32>
    %broadcast_in_dim3A_254 = vector.shape_cast %get3A_247 : vector<4096xf32> to vector<1x4096xf32>
    %sub3A = vector.broadcast %broadcast_in_dim3A_253 : vector<64x1xf32> to vector<64x4096xf32>
    %sub3A_255 = vector.broadcast %broadcast_in_dim3A_254 : vector<1x4096xf32> to vector<64x4096xf32>
    %sub3A_256 = arith.subf %sub3A, %sub3A_255 : vector<64x4096xf32>
    %broadcast_in_dim3A_257 = vector.shape_cast %get3A_242 : vector<64xf32> to vector<64x1xf32>
    %broadcast_in_dim3A_258 = vector.shape_cast %get3A_252 : vector<4096xf32> to vector<1x4096xf32>
    %sub3A_259 = vector.broadcast %broadcast_in_dim3A_257 : vector<64x1xf32> to vector<64x4096xf32>
    %sub3A_260 = vector.broadcast %broadcast_in_dim3A_258 : vector<1x4096xf32> to vector<64x4096xf32>
    %sub3A_261 = arith.subf %sub3A_259, %sub3A_260 : vector<64x4096xf32>
    %mul3A_262 = arith.mulf %sub3A_256, %sub3A_256 : vector<64x4096xf32>
    %mul3A_263 = arith.mulf %sub3A_261, %sub3A_261 : vector<64x4096xf32>
    %add3A_264 = arith.addf %mul3A_262, %mul3A_263 : vector<64x4096xf32>
    %sqrt3A_265 = math.sqrt %add3A_264 : vector<64x4096xf32>
    %convert_element_type3A = arith.extui %ge3A : vector<64x4096xi1> to vector<64x4096xi32>
    %convert_element_type3A_266 = arith.sitofp %convert_element_type3A : vector<64x4096xi32> to vector<64x4096xf32>
    %reduce_sum3A_267 = arith.constant dense<0.000000e+00> : vector<64xf32>
    %reduce_sum3A_268 = vector.multi_reduction <add>, %convert_element_type3A_266, %reduce_sum3A_267 [1] : vector<64x4096xf32> to vector<64xf32>
    %jit3A = arith.constant 1.000000e+10 : f32
    %broadcast_in_dim3A_269 = vector.broadcast %jit3A : f32 to vector<64x4096xf32>
    %select_n3A = arith.select %ge3A, %sqrt3A_265, %broadcast_in_dim3A_269 : vector<64x4096xi1>, vector<64x4096xf32>
    %reduce_min3A = arith.constant dense<0x7F800000> : vector<64xf32>
    %reduce_min3A_270 = vector.multi_reduction <minimumf>, %select_n3A, %reduce_min3A [1] : vector<64x4096xf32> to vector<64xf32>
    %mul3A_271 = arith.mulf %sqrt3A_265, %convert_element_type3A_266 : vector<64x4096xf32>
    %reduce_sum3A_272 = arith.constant dense<0.000000e+00> : vector<64xf32>
    %reduce_sum3A_273 = vector.multi_reduction <add>, %mul3A_271, %reduce_sum3A_272 [1] : vector<64x4096xf32> to vector<64xf32>
    %max3A_274 = arith.constant 1.000000e+00 : f32
    %max3A_275 = vector.broadcast %max3A_274 : f32 to vector<64xf32>
    %max3A_276 = arith.maximumf %reduce_sum3A_268, %max3A_275 : vector<64xf32>
    %div3A = arith.divf %reduce_sum3A_273, %max3A_276 : vector<64xf32>
    %reduce_sum3A_277 = vector.shape_cast %get3A_247 : vector<4096xf32> to vector<1x4096xf32>
    %reduce_sum3A_278 = arith.constant dense<0.000000e+00> : vector<1xf32>
    %reduce_sum3A_279 = vector.multi_reduction <add>, %reduce_sum3A_277, %reduce_sum3A_278 [1] : vector<1x4096xf32> to vector<1xf32>
    %reduce_sum3A_280 = vector.shape_cast %reduce_sum3A_279 : vector<1xf32> to vector<1x1xf32>
    %reduce_sum3A_281 = vector.extract %reduce_sum3A_280[0, 0] : f32 from vector<1x1xf32>
    %reduce_sum3A_282 = vector.shape_cast %get3A_252 : vector<4096xf32> to vector<1x4096xf32>
    %reduce_sum3A_283 = arith.constant dense<0.000000e+00> : vector<1xf32>
    %reduce_sum3A_284 = vector.multi_reduction <add>, %reduce_sum3A_282, %reduce_sum3A_283 [1] : vector<1x4096xf32> to vector<1xf32>
    %reduce_sum3A_285 = vector.shape_cast %reduce_sum3A_284 : vector<1xf32> to vector<1x1xf32>
    %reduce_sum3A_286 = vector.extract %reduce_sum3A_285[0, 0] : f32 from vector<1x1xf32>
    %add3A_287 = arith.addf %reduce_sum3A_281, %reduce_sum3A_286 : f32
    %ge3A_288 = arith.constant 0.000000e+00 : f32
    %ge3A_289 = arith.cmpf oge, %add3A_287, %ge3A_288 : f32
    %convert_element_type3A_290 = arith.extui %ge3A_289 : i1 to i32
    %convert_element_type3A_291 = arith.sitofp %convert_element_type3A_290 : i32 to f32
    %gt3A = arith.constant 0.000000e+00 : f32
    %gt3A_292 = vector.broadcast %gt3A : f32 to vector<64xf32>
    %gt3A_293 = arith.cmpf ogt, %reduce_sum3A_268, %gt3A_292 : vector<64xf32>
    %add3A_294 = arith.addf %reduce_min3A_270, %div3A : vector<64xf32>
    %mul3A_295 = arith.constant 5.000000e-01 : f32
    %mul3A_296 = arith.mulf %mul3A_295, %convert_element_type3A_291 : f32
    %mul3A_297 = vector.broadcast %mul3A_296 : f32 to vector<64xf32>
    %mul3A_298 = arith.mulf %add3A_294, %mul3A_297 : vector<64xf32>
    %jit3A_299 = arith.constant 0.000000e+00 : f32
    %broadcast_in_dim3A_300 = vector.broadcast %jit3A_299 : f32 to vector<64xf32>
    %select_n3A_301 = arith.select %gt3A_293, %mul3A_298, %broadcast_in_dim3A_300 : vector<64xi1>, vector<64xf32>
    %reduce_sum3A_302 = vector.shape_cast %select_n3A_301 : vector<64xf32> to vector<1x64xf32>
    %reduce_sum3A_303 = arith.constant dense<0.000000e+00> : vector<1xf32>
    %reduce_sum3A_304 = vector.multi_reduction <add>, %reduce_sum3A_302, %reduce_sum3A_303 [1] : vector<1x64xf32> to vector<1xf32>
    %reduce_sum3A_305 = vector.shape_cast %reduce_sum3A_304 : vector<1xf32> to vector<1x1xf32>
    %reduce_sum3A_306 = vector.extract %reduce_sum3A_305[0, 0] : f32 from vector<1x1xf32>
    %eq3A = arith.constant 0 : i32
    %eq3A_307 = arith.cmpi eq, %arg0, %eq3A : i32
    %convert_element_type3A_308 = arith.extui %eq3A_307 : i1 to i32
    %cond3A = arith.constant 0 : i32
    %cond3A_309 = arith.cmpi ne, %convert_element_type3A_308, %cond3A : i32
    scf.if %cond3A_309 {
      %swap3A_321 = arith.constant 0.000000e+00 : f32
      %swap3A_322 = arith.constant 0 : index
      %swap3A_323 = arith.constant 0 : index
      %swap3A_324 = memref.load %arg9[%swap3A_322, %swap3A_323] : memref<1x1xf32, #tpu.memory_space<smem>>
      memref.store %swap3A_321, %arg9[%swap3A_322, %swap3A_323] : memref<1x1xf32, #tpu.memory_space<smem>>
    } else {
    }
    %get3A_310 = arith.constant 0 : index
    %get3A_311 = arith.constant 0 : index
    %get3A_312 = memref.load %arg9[%get3A_310, %get3A_311] : memref<1x1xf32, #tpu.memory_space<smem>>
    %add3A_313 = arith.addf %get3A_312, %reduce_sum3A_306 : f32
    %swap3A = arith.constant 0 : index
    %swap3A_314 = arith.constant 0 : index
    %swap3A_315 = memref.load %arg9[%swap3A, %swap3A_314] : memref<1x1xf32, #tpu.memory_space<smem>>
    memref.store %add3A_313, %arg9[%swap3A, %swap3A_314] : memref<1x1xf32, #tpu.memory_space<smem>>
    %eq3A_316 = arith.constant 7 : i32
    %eq3A_317 = arith.cmpi eq, %arg0, %eq3A_316 : i32
    %convert_element_type3A_318 = arith.extui %eq3A_317 : i1 to i32
    %cond3A_319 = arith.constant 0 : i32
    %cond3A_320 = arith.cmpi ne, %convert_element_type3A_318, %cond3A_319 : i32
    scf.if %cond3A_320 {
      %get3A_321 = arith.constant 0 : index
      %get3A_322 = arith.constant 0 : index
      %get3A_323 = memref.load %arg9[%get3A_321, %get3A_322] : memref<1x1xf32, #tpu.memory_space<smem>>
      %mul3A_324 = arith.constant 0.001953125 : f32
      %mul3A_325 = arith.mulf %get3A_323, %mul3A_324 : f32
      %swap3A_326 = arith.constant 0 : index
      %swap3A_327 = arith.constant 0 : index
      %swap3A_328 = memref.load %arg9[%swap3A_326, %swap3A_327] : memref<1x1xf32, #tpu.memory_space<smem>>
      memref.store %mul3A_325, %arg9[%swap3A_326, %swap3A_327] : memref<1x1xf32, #tpu.memory_space<smem>>
    } else {
    }
    return
  }
  func.func @transform_0(%arg0: i32) -> (i32, i32, i32) {
    %add3A = arith.constant 512 : i32
    %add3A_0 = arith.addi %add3A, %arg0 : i32
    %c0_i32 = arith.constant 0 : i32
    %c0_i32_1 = arith.constant 0 : i32
    %c0_i32_2 = arith.constant 0 : i32
    return %c0_i32, %add3A_0, %c0_i32_1 : i32, i32, i32
  }
  func.func @transform_1(%arg0: i32) -> (i32, i32, i32) {
    %c0_i32 = arith.constant 0 : i32
    %c0_i32_0 = arith.constant 0 : i32
    %c0_i32_1 = arith.constant 0 : i32
    return %c0_i32, %arg0, %c0_i32_0 : i32, i32, i32
  }
  func.func @transform_2(%arg0: i32) -> (i32, i32) {
    %add3A = arith.constant 512 : i32
    %add3A_0 = arith.addi %add3A, %arg0 : i32
    %c0_i32 = arith.constant 0 : i32
    %c0_i32_1 = arith.constant 0 : i32
    return %add3A_0, %c0_i32 : i32, i32
  }
  func.func @transform_3(%arg0: i32) -> (i32, i32) {
    %c0_i32 = arith.constant 0 : i32
    %c0_i32_0 = arith.constant 0 : i32
    return %arg0, %c0_i32 : i32, i32
  }
  func.func @transform_4(%arg0: i32) -> (i32, i32, i32) {
    %c0_i32 = arith.constant 0 : i32
    %c0_i32_0 = arith.constant 0 : i32
    %c0_i32_1 = arith.constant 0 : i32
    return %arg0, %c0_i32, %c0_i32_0 : i32, i32, i32
  }
  func.func @transform_5(%arg0: i32) -> (i32, i32, i32) {
    %c0_i32 = arith.constant 0 : i32
    %c0_i32_0 = arith.constant 0 : i32
    %c0_i32_1 = arith.constant 0 : i32
    return %arg0, %c0_i32, %c0_i32_0 : i32, i32, i32
  }
  func.func @transform_6(%arg0: i32) -> (i32, i32, i32) {
    %c0_i32 = arith.constant 0 : i32
    %c0_i32_0 = arith.constant 0 : i32
    %c0_i32_1 = arith.constant 0 : i32
    return %arg0, %c0_i32, %c0_i32_0 : i32, i32, i32
  }
  func.func @transform_7(%arg0: i32) -> (i32, i32, i32) {
    %c0_i32 = arith.constant 0 : i32
    %c0_i32_0 = arith.constant 0 : i32
    %c0_i32_1 = arith.constant 0 : i32
    return %arg0, %c0_i32, %c0_i32_0 : i32, i32, i32
  }
  func.func @transform_8(%arg0: i32) -> (i32, i32) {
    %c0_i32 = arith.constant 0 : i32
    %c0_i32_0 = arith.constant 0 : i32
    %c0_i32_1 = arith.constant 0 : i32
    return %c0_i32, %c0_i32_0 : i32, i32
  }
}

</mosaic_0001>

<sc_bundles>
// kernel: kernel.4.cloned.1.call-start
scs
__scs_entry_jumppad:
0x0: {  	(pc) =	sbr.rel $0x88, $3  }
0x1: {  	(tag) =	ssettag $0x0;
	lr =	simm.s32 $0x1  }
0x2: {  	[smem:$0x3F9D] =	sst lr;
	_ =	strace $0xD0000000  }
0x3: {  	_ = 	snop  }
0x4: {  	_ = 	snop  }
0x5: {  	_ = 	snop  }
0x6: {  	_ = 	snop  }
0x7: {  	_ = 	snop  }
__scs_overlays_trampoline_lowered:
0x8: {  	[smem:$0x3FAC] =	sst s0  }
0x9: {  	[smem:$0x3FAD] =	sst s1  }
0xa: {  	[smem:$0x3FAE] =	sst s2  }
0xb: {  	[smem:$0x3FAF] =	sst s3  }
0xc: {  	[smem:$0x3FB0] =	sst s4  }
0xd: {  	[smem:$0x3FB1] =	sst s5  }
0xe: {  	[smem:$0x3FB2] =	sst s6  }
0xf: {  	[smem:$0x3FB3] =	sst s7  }
0x10: {  	[smem:$0x3FB4] =	sst s8  }
0x11: {  	[smem:$0x3FB5] =	sst s9;
	s0 =	simm.s32 @!p0 $0x0  }
0x12: {  	s1 =	sld [smem:$0x3F9B];
	s0 =	simm.s32 @p0 $0x1  }
0x13: {  	[smem:$0x3FB6] =	sst s0;
	s0 =	simm.s32 @!p1 $0x0  }
0x14: {  	s2 =	sld [smem:$0x3F9A];
	s0 =	simm.s32 @p1 $0x1  }
0x15: {  	[smem:$0x3FB7] =	sst s0;
	s0 =	simm.s32 @!p2 $0x0  }
0x16: {  	s3 =	sld [smem:$0x3FDB];
	s0 =	simm.s32 @p2 $0x1  }
0x17: {  	s4 =	simm.s32 $0x1BF5;
	[smem:$0x3FB9] =	sst s0  }
0x18: {  	s0 =	sld [smem:$0x3F9C];
	_ =	swait.ge [sflag:s4], $0x0  }
0x19: {  	s7 =	sld [smem:$0x3F9D]  }
0x1a: {  	s8 =	sadd.s32 $0xFFFFE003, lr  }
0x1b: {  	s9 =	sadd.s32 $0xFFFFFEF7, lr;
	s5 =	simm.s32 $0xFFFFFFFF;
	p2 =	slt.u32 s8, $0xFFFFF086  }
0x1c: {  	p1 =	slt.u32 s9, $0xF7A;
	s5 =	simm.s32 @!p2 $0x0  }
0x1d: {  	s5 =	simm.s32 @p1 $0x1;
	p0 =	seq.s32 s7, s2  }
0x1e: {  	s7 =	smul.u32 @!p0 $0xF7A, s2;
	p2 =	seq.s32 @!p0 s5, $0x0  }
0x1f: {  	s9 =	smul.u32 $0xF7A, s1;
	s8 =	simm.s32 @!p0 $0x1BF5;
	p2 =	por !p2, p0  }
0x20: {  	[sflag:s8] =	ssyncset.s32 @!p0 $0xFFFFF086;
	s6 =	sadd.s32 @!p0 s3, s7;
	s7 =	simm.s32 @!p0 $0x108  }
0x21: {  	s3 =	sadd.s32 s3, s9;
	s6 =	sadd.s32 @!p0 $0x88, s6;
	s7 =	simm.s32 @p2 $0x1082  }
0x22: {  	[simem:s7], [sflag:s8] =	dma.local @!p0 [hbm:s6], $0xF7A  }
0x23: {  	s9 =	sor.u32 $0xD0000000, s2;
	s6 =	simm.s32 $0x108;
	_ =	swait.ge @!p0 [sflag:s8], $0x0  }
0x24: {  	s3 =	sadd.s32 $0x88, s3;
	s6 =	simm.s32 @!p1 $0x1082;
	[sflag:s4] =	ssyncset.s32 $0xFFFFF086  }
0x25: {  	[simem:s6], [sflag:s4] =	dma.local [hbm:s3], $0xF7A  }
0x26: {  	[smem:$0x3F9D] =	sst s1;
	(tag) =	ssettag s2;
	_ =	strace s9  }
0x27: {  	s1 =	sld [smem:$0x3FAD]  }
0x28: {  	s2 =	sld [smem:$0x3FAE]  }
0x29: {  	s4 =	sld [smem:$0x3FB0]  }
0x2a: {  	p0 =	seq.s32 s5, $0x0;
	s5 =	sld [smem:$0x3FB1]  }
0x2b: {  	s6 =	sld [smem:$0x3FB2]  }
0x2c: {  	s7 =	sld [smem:$0x3FB3]  }
0x2d: {  	s3 =	simm.s32 $0x108;
	s8 =	sld [smem:$0x3FB4]  }
0x2e: {  	s3 =	simm.s32 @!p0 $0x1082;
	s9 =	sld [smem:$0x3FB5]  }
0x2f: {  	lr =	sadd.s32 s0, s3;
	s0 =	sld [smem:$0x3FAC]  }
0x30: {  	s3 =	sld [smem:$0x3FAF]  }
0x31: {  	[smem:$0x3FB8] =	sst s10  }
0x32: {  	s10 =	sld [smem:$0x3FB6];
	_ =	sdelay $0x3  }
0x33: {  	p0 =	seq.s32 s10, $0x1;
	s10 =	sld [smem:$0x3FB8];
	_ =	sdelay $0x3  }
0x34: {  	[smem:$0x3FB8] =	sst s10  }
0x35: {  	s10 =	sld [smem:$0x3FB7];
	_ =	sdelay $0x3  }
0x36: {  	p1 =	seq.s32 s10, $0x1;
	s10 =	sld [smem:$0x3FB8];
	_ =	sdelay $0x3  }
0x37: {  	[smem:$0x3FB8] =	sst s10  }
0x38: {  	s10 =	sld [smem:$0x3FB9]  }
0x39: {  	_ = 	snop;
	(pc) =	sbr.ind lr, $3  }
0x3a: {  	_ = 	snop  }
0x3b: {  	_ = 	snop  }
0x3c: {  	p2 =	seq.s32 s10, $0x1;
	s10 =	sld [smem:$0x3FB8]  }
0x3d: {  	_ =	shalt  }
0x3e: {  	_ =	shalt  }
0x3f: {  	_ =	shalt  }
0x40: {  	_ =	shalt  }
0x41: {  	_ =	shalt  }
0x42: {  	_ =	shalt  }
0x43: {  	_ =	shalt  }
0x44: {  	_ =	shalt  }
0x45: {  	_ =	shalt  }
0x46: {  	_ =	shalt  }
0x47: {  	_ =	shalt  }
0x48: {  	_ =	shalt  }
0x49: {  	_ =	shalt  }
0x4a: {  	_ =	shalt  }
0x4b: {  	_ =	shalt  }
0x4c: {  	_ =	shalt  }
0x4d: {  	_ =	shalt  }
0x4e: {  	_ =	shalt  }
0x4f: {  	_ =	shalt  }
0x50: {  	_ =	shalt  }
0x51: {  	_ =	shalt  }
0x52: {  	_ =	shalt  }
0x53: {  	_ =	shalt  }
0x54: {  	_ =	shalt  }
0x55: {  	_ =	shalt  }
0x56: {  	_ =	shalt  }
0x57: {  	_ =	shalt  }
0x58: {  	_ =	shalt  }
0x59: {  	_ =	shalt  }
0x5a: {  	_ =	shalt  }
0x5b: {  	_ =	shalt  }
0x5c: {  	_ =	shalt  }
0x5d: {  	_ =	shalt  }
0x5e: {  	_ =	shalt  }
0x5f: {  	_ =	shalt  }
0x60: {  	_ =	shalt  }
0x61: {  	_ =	shalt  }
0x62: {  	_ =	shalt  }
0x63: {  	_ =	shalt  }
0x64: {  	_ =	shalt  }
0x65: {  	_ =	shalt  }
0x66: {  	_ =	shalt  }
0x67: {  	_ =	shalt  }
0x68: {  	_ =	shalt  }
0x69: {  	_ =	shalt  }
0x6a: {  	_ =	shalt  }
0x6b: {  	_ =	shalt  }
0x6c: {  	_ =	shalt  }
0x6d: {  	_ =	shalt  }
0x6e: {  	_ =	shalt  }
0x6f: {  	_ =	shalt  }
0x70: {  	_ =	shalt  }
0x71: {  	_ =	shalt  }
0x72: {  	_ =	shalt  }
0x73: {  	_ =	shalt  }
0x74: {  	_ =	shalt  }
0x75: {  	_ =	shalt  }
0x76: {  	_ =	shalt  }
0x77: {  	_ =	shalt  }
0x78: {  	_ =	shalt  }
0x79: {  	_ =	shalt  }
0x7a: {  	_ =	shalt  }
0x7b: {  	_ =	shalt  }
0x7c: {  	_ =	shalt  }
0x7d: {  	_ =	shalt  }
0x7e: {  	_ =	shalt  }
0x7f: {  	_ =	shalt  }
0x80: {  	_ =	shalt  }
0x81: {  	_ =	shalt  }
0x82: {  	_ =	shalt  }
0x83: {  	_ =	shalt  }
0x84: {  	_ =	shalt  }
0x85: {  	_ =	shalt  }
0x86: {  	_ =	shalt  }
0x87: {  	_ =	shalt  }
.Lfunc_end0:
.L_simem_size_0:
called_computation_lowered:
.L_overlay_start_0:
0x88: {  	s2 =	sld [smem:$0x3FD9]  }
0x89: {  	s3 =	sld [smem:$0x3FFE];
	_ =	sdelay $0x1  }
0x8a: {  	s1 =	srdreg.scid  }
0x8b: {  	s0 =	sand.u32 $0x1, s1  }
0x8c: {  	s16 =	sshll.u32 s0, $0xA;
	s2 =	sadd.s32 s3, s2  }
0x8d: {  	s2 =	sadd.s32 s2, s16  }
0x8e: {  	[smem:$0x3FC4] =	sst s2  }
0x8f: {  	_ = 	snop  }
0x90: {  	(tm) =	ssettm $0x1  }
0x91: {  	s17 =	sld [smem:$0x3FFB];
	_ =	sdelay $0x3  }
0x92: {  	_ =	strace s17  }
0x93: {  	s2 =	sld [smem:$0x3FFC];
	_ =	sdelay $0x3  }
0x94: {  	_ =	strace s2  }
0x95: {  	s2 =	sld [smem:$0x3FFD];
	_ =	sdelay $0x3  }
0x96: {  	_ =	strace s2  }
0x97: {  	_ =	strace $0x8FFFFFFF  }
0x98: {  	s18 =	sld [smem:$0x3FDB];
	_ =	sdelay $0x1  }
0x99: {  	s19 =	simm.s32 $_scs_section_size  }
0x9a: {  	s4 =	simm.s32 $_size__tile_overlayer_lowered;
	s5 =	simm.s32 $_tile_overlayer_lowered  }
0x9b: {  	s22 =	simm.s32 $0x1BFF;
	s21 =	sshll.u32 s5, $0x1;
	s2 =	sadd.s32 s19, s18  }
0x9c: {  	s6 =	simm.s32 $0x0;
	s20 =	sshll.u32 s4, $0x1;
	s4 =	sadd.s32 s21, s2  }
0x9d: {  	[timem:s6], [sflag:s22] =	dma.local [hbm:s4], s20  }
0x9e: {  	_ =	swait.ge [sflag:s22], s20  }
0x9f: {  	s3 =	ssub.s32 $0x0, s20;
	[sflag:s22] =	ssyncset.done $0x0  }
0xa0: {  	[sflag:s22] =	ssyncadd.s32 s3;
	_ =	sdelay $0x1  }
0xa1: {  	s23 =	simm.s32 $0x1B8B  }
0xa2: {  	_ =	swait.ge [sflag:s23], $0x1  }
0xa3: {  	[sflag:s23] =	ssyncset.done $0x0  }
0xa4: {  	s25 =	simm.s32 $0x1B8E;
	s24 =	sld [smem:$0x3FFE];
	[sflag:s23] =	ssyncadd.s32 $0xFFFFFFFF  }
0xa5: {  	s26 =	simm.s32 $execute0_lowered;
	[smem:$0x3FD2] =	sst s25  }
0xa6: {  	s4 =	sshll.u32 s26, $0x1;
	_ =	strace $0x80000046;
	[dreg:$0x1] =	wrdreg $0xFFFFFFFF  }
0xa7: {  	s28 =	simm.s32 $_size_execute0_lowered;
	s2 =	sadd.s32 s2, s4;
	[dreg:$0x0] =	wrdreg $0x0  }
0xa8: {  	s4 =	sshll.u32 s28, $0x1;
	[dreg:$0x2] =	wrdreg s2  }
0xa9: {  	[dreg:$0x3] =	wrdreg s4  }
0xaa: {  	[dreg:$0x4] =	wrdreg $0xC0  }
0xab: {  	_ =	task [dreg:s6], $0x5FFFF  }
0xac: {  	[dreg:$0x1] =	wrdreg $0xFFFFFFFF  }
0xad: {  	[dreg:$0x0] =	wrdreg $0x60  }
0xae: {  	[dreg:$0x2] =	wrdreg s24  }
0xaf: {  	[dreg:$0x3] =	wrdreg $0x9  }
0xb0: {  	_ =	task.clear_ibuf [dreg:s6], $0x4FFFF;
	_ =	strace $0x90000046  }
0xb1: {  	s29 =	simm.s32 $0x9;
	_ =	strace $0x80000048  }
0xb2: {  	_ =	swait.ge [sflag:s29], $0x1  }
0xb3: {  	[sflag:s29] =	ssyncadd.s32 $0xFFFFFFFF  }
0xb4: {  	_ =	strace $0x90000048  }
0xb5: {  	_ =	sfence  }
0xb6: {  	s30 =	sld [smem:$0x0];
	_ =	sdelay $0x2  }
0xb7: {  	s31 =	sshll.u32 s1, $0xD;
	s1 =	sshrl.u32 s1, $0x2  }
0xb8: {  	s3 =	sand.u32 $0x4000, s31;
	s1 =	sadd.s32 s1, s30  }
0xb9: {  	s0 =	sor.u32 s3, s0;
	s1 =	sshll.u32 s1, $0x11  }
0xba: {  	s0 =	sor.u32 s1, s0  }
0xbb: {  	s0 =	sadd.s32 $0x8F2B, s0  }
0xbc: {  	[sflag:s0] =	ssyncadd.remote.s32 $0x1  }
0xbd: {  	_ =	sfence.sel $0xFFFF  }
0xbe: {  	[dreg:$0x0] =	wrdreg $0xFFFFFFFF;
	(pc) =	sbr.abs _section_cstart, $3  }
0xbf: {  	[dreg:$0x1] =	wrdreg $0xFFFFFFFF  }
0xc0: {  	_ =	task.clear_ibuf [dreg:s6], $0x2FFFF;
	_ =	strace $0x9FFFFFFF  }
0xc1: {  	(tm) =	ssettm $0x7FFFFFFF  }
tec
execute0_lowered:
.L_overlay_start_1:
0x0: {  	(tag) =	ssettag $0x1  }
0x1: {  	s1 =	srdreg.scid  }
0x2: {  	s0 =	stileid.u32;
	s2 =	rddreg [dreg:$0x0];
	s3 =	simm.s32 $0x0  }
0x3: {  	s11 =	simm.s32 $0x5;
	s12 =	simm.s32 $0x28;
	s13 =	simm.s32 $0x3400  }
0x4: {  	s15 =	simm.s32 $0x4800;
	s17 =	simm.s32 $0x5C00;
	s19 =	simm.s32 $0x7000  }
0x5: {  	s20 =	simm.s32 $0x1;
	s21 =	simm.s32 $0x8400;
	s22 =	simm.s32 $0x9800  }
0x6: {  	s23 =	simm.s32 $0xAC00;
	s24 =	simm.s32 $0xC000;
	s25 =	simm.s32 $0x2  }
0x7: {  	s26 =	simm.s32 $0x3;
	s1 =	sand.u32 $0x1, s1;
	s4 =	sshll.u32 s0, $0x1  }
0x8: {  	s28 =	simm.s32 $0x4;
	s10 =	smul.u32 $0x8200, s0;
	s4 =	sor.u32 s1, s4  }
0x9: {  	s29 =	simm.s32 $0x0;
	[smem:$0x7FF] =	sst s3;
	s4 =	smul.u32 $0x680, s4  }
.Ltmp0:
0xa: {  	s8 =	sadd.s32 $0x1D3000, s2;
	s5 =	ssub.s32 $0x2, s1;
	(pc) =	sbr.rel .LBB2_1-.Ltmp0, $4  }
0xb: {  	_ =	strace $0x80000047;
	s1 =	smul.u32 $0x4100, s1;
	s7 =	sshrl.u32 s5, $0x1  }
0xc: {  	s9 =	ssub.s32 s5, s7;
	s7 =	sadd.s32 $0x151000, s2;
	s6 =	sadd.s32 s4, s2  }
0xd: {  	s10 =	sadd.s32 s1, s10;
	s4 =	sadd.s32 $0x4D000, s2;
	s31 =	sadd.s32 $0x40000, s6  }
0xe: {  	s9 =	smax.u32 s9, $0x1;
	s6 =	sadd.s32 $0xCF000, s2;
	[dreg:$0x2] =	wrdreg s31  }
.LBB2_4:
0xf: {  	_ =	swait.ge [sflag:s28], $0x1400  }
0x10: {  	[sflag:s28] =	ssyncset.done $0x0  }
0x11: {  	[sflag:s28] =	ssyncadd.s32 $0xFFFFEC00  }
0x12: {  	_ =	swait.ge [sflag:s28], $0x1400  }
0x13: {  	[sflag:s28] =	ssyncset.done $0x0  }
0x14: {  	s29 =	sadd.s32 $0x1, s29;
	[sflag:s28] =	ssyncadd.s32 $0xFFFFEC00  }
0x15: {  	p0 =	sne.s32 s29, s9;
	_ =	swait.ge [sflag:s28], $0x1400  }
.Ltmp1:
0x16: {  	[sflag:s28] =	ssyncset.done $0x0;
	(pc) =	sbr.rel @!p0 .LBB2_5-.Ltmp1, $4  }
0x17: {  	[sflag:s28] =	ssyncadd.s32 $0xFFFFEC00  }
0x18: {  	_ =	swait.ge [sflag:s28], $0x1400  }
0x19: {  	[sflag:s28] =	ssyncset.done $0x0  }
0x1a: {  	[sflag:s28] =	ssyncadd.s32 $0xFFFFEC00  }
.LBB2_1:
0x1b: {  	s0 =	rddreg [dreg:$0x2]  }
0x1c: {  	[tilespmem:s3], [sflag:$0x5] =	stream.linear.gather [hbm4b:s0+s3], $0x3400, $0x38;
	[tilespmem:$0xD400] =	vst v63  }
0x1d: {  	_ =	swait.ge [sflag:s11], $0x3400  }
0x1e: {  	[sflag:s11] =	ssyncset.done $0x0  }
0x1f: {  	[sflag:s11] =	ssyncadd.s32 $0xFFFFCC00  }
0x20: {  	[tilespmem:s13], [sflag:$0x1] =	stream.indirect.gather [hbm4b:s2+s12], $0x80, s3, s12, $0xb8;
	[tilespmem:$0xD400] =	vst v63  }
0x21: {  	s14 =	simm.s32 $0x80  }
0x22: {  	[tilespmem:s15], [sflag:$0x1] =	stream.indirect.gather [hbm4b:s2+s12], $0x80, s14, s12, $0xb8;
	[tilespmem:$0xD400] =	vst v63  }
0x23: {  	s16 =	simm.s32 $0x100  }
0x24: {  	[tilespmem:s17], [sflag:$0x1] =	stream.indirect.gather [hbm4b:s2+s12], $0x80, s16, s12, $0xb8;
	[tilespmem:$0xD400] =	vst v63  }
0x25: {  	s18 =	simm.s32 $0x180;
	s30 =	smov.u32 s10;
	s31 =	simm.s32 $0x0  }
0x26: {  	[tilespmem:s19], [sflag:$0x1] =	stream.indirect.gather [hbm4b:s2+s12], $0x80, s18, s12, $0xb8;
	[tilespmem:$0xD400] =	vst v63  }
.LBB2_2:
0x27: {  	_ =	swait.ge [sflag:s20], $0x1400  }
0x28: {  	[sflag:s20] =	ssyncset.done $0x0  }
0x29: {  	[sflag:s20] =	ssyncadd.s32 $0xFFFFEC00  }
0x2a: {  	_ =	swait.ge [sflag:s20], $0x1400  }
0x2b: {  	[sflag:s20] =	ssyncset.done $0x0  }
0x2c: {  	[sflag:s20] =	ssyncadd.s32 $0xFFFFEC00  }
0x2d: {  	_ =	swait.ge [sflag:s20], $0x1400  }
0x2e: {  	[sflag:s20] =	ssyncset.done $0x0  }
0x2f: {  	[sflag:s20] =	ssyncadd.s32 $0xFFFFEC00  }
0x30: {  	_ =	swait.ge [sflag:s20], $0x1400  }
0x31: {  	[sflag:s20] =	ssyncset.done $0x0  }
0x32: {  	s0 =	sadd.s32 s30, s4;
	[sflag:s20] =	ssyncadd.s32 $0xFFFFEC00  }
0x33: {  	[hbm4b:s0+s3] =	stream.linear.scatter [tilespmem:s13], [sflag:$0x3], $0x1400, $0x38;
	[tilespmem:$0xD400] =	vst v63  }
0x34: {  	s14 =	sadd.s32 s30, s6  }
0x35: {  	[hbm4b:s14+s3] =	stream.linear.scatter [tilespmem:s15], [sflag:$0x3], $0x1400, $0x38;
	[tilespmem:$0xD400] =	vst v63  }
0x36: {  	s16 =	sadd.s32 s30, s7;
	p0 =	seq.s32 s31, $0x0  }
0x37: {  	[hbm4b:s16+s3] =	stream.linear.scatter [tilespmem:s17], [sflag:$0x3], $0x1400, $0x38;
	[tilespmem:$0xD400] =	vst v63  }
0x38: {  	s18 =	sadd.s32 s30, s8;
	s5 =	simm.s32 @!p0 $0x4  }
0x39: {  	[hbm4b:s18+s3] =	stream.linear.scatter [tilespmem:s19], [sflag:$0x3], $0x1400, $0x38;
	[tilespmem:$0xD400] =	vst v63  }
0x3a: {  	_ =	swait.ge @!p0 [sflag:s5], $0x1400  }
0x3b: {  	[sflag:s5] =	ssyncset.done @!p0 $0x0  }
0x3c: {  	[sflag:s5] =	ssyncadd.s32 @!p0 $0xFFFFEC00  }
0x3d: {  	_ =	swait.ge @!p0 [sflag:s5], $0x1400  }
0x3e: {  	[sflag:s5] =	ssyncset.done @!p0 $0x0  }
0x3f: {  	[sflag:s5] =	ssyncadd.s32 @!p0 $0xFFFFEC00  }
0x40: {  	_ =	swait.ge @!p0 [sflag:s5], $0x1400  }
0x41: {  	[sflag:s5] =	ssyncset.done @!p0 $0x0  }
0x42: {  	[sflag:s5] =	ssyncadd.s32 @!p0 $0xFFFFEC00  }
0x43: {  	_ =	swait.ge @!p0 [sflag:s5], $0x1400  }
0x44: {  	s1 =	sshra.s32 s31, $0x2;
	[sflag:s5] =	ssyncset.done @!p0 $0x0  }
0x45: {  	[sflag:s5] =	ssyncadd.s32 @!p0 $0xFFFFEC00;
	s5 =	sadd.s32 $0x200, s1  }
0x46: {  	[tilespmem:s21], [sflag:$0x2] =	stream.indirect.gather [hbm4b:s2+s12], $0x80, s5, s12, $0xb8;
	[tilespmem:$0xD400] =	vst v63  }
0x47: {  	s5 =	sadd.s32 $0x280, s1  }
0x48: {  	[tilespmem:s22], [sflag:$0x2] =	stream.indirect.gather [hbm4b:s2+s12], $0x80, s5, s12, $0xb8;
	[tilespmem:$0xD400] =	vst v63  }
0x49: {  	s5 =	sadd.s32 $0x300, s1  }
0x4a: {  	[tilespmem:s23], [sflag:$0x2] =	stream.indirect.gather [hbm4b:s2+s12], $0x80, s5, s12, $0xb8;
	[tilespmem:$0xD400] =	vst v63  }
0x4b: {  	s5 =	sadd.s32 $0x380, s1  }
0x4c: {  	[tilespmem:s24], [sflag:$0x2] =	stream.indirect.gather [hbm4b:s2+s12], $0x80, s5, s12, $0xb8;
	[tilespmem:$0xD400] =	vst v63  }
0x4d: {  	_ =	swait.ge [sflag:s25], $0x1400  }
0x4e: {  	[sflag:s25] =	ssyncset.done $0x0  }
0x4f: {  	[sflag:s25] =	ssyncadd.s32 $0xFFFFEC00  }
0x50: {  	_ =	swait.ge [sflag:s25], $0x1400  }
0x51: {  	[sflag:s25] =	ssyncset.done $0x0  }
0x52: {  	[sflag:s25] =	ssyncadd.s32 $0xFFFFEC00  }
0x53: {  	_ =	swait.ge [sflag:s25], $0x1400  }
0x54: {  	[sflag:s25] =	ssyncset.done $0x0  }
0x55: {  	[sflag:s25] =	ssyncadd.s32 $0xFFFFEC00  }
0x56: {  	_ =	swait.ge [sflag:s25], $0x1400  }
0x57: {  	[sflag:s25] =	ssyncset.done $0x0  }
0x58: {  	s0 =	sadd.s32 $0x280, s0;
	[sflag:s25] =	ssyncadd.s32 $0xFFFFEC00  }
0x59: {  	[hbm4b:s0+s3] =	stream.linear.scatter [tilespmem:s21], [sflag:$0x4], $0x1400, $0x38;
	[tilespmem:$0xD400] =	vst v63  }
0x5a: {  	s14 =	sadd.s32 $0x280, s14  }
0x5b: {  	[hbm4b:s14+s3] =	stream.linear.scatter [tilespmem:s22], [sflag:$0x4], $0x1400, $0x38;
	[tilespmem:$0xD400] =	vst v63  }
0x5c: {  	s16 =	sadd.s32 $0x280, s16  }
0x5d: {  	[hbm4b:s16+s3] =	stream.linear.scatter [tilespmem:s23], [sflag:$0x4], $0x1400, $0x38;
	[tilespmem:$0xD400] =	vst v63  }
0x5e: {  	s18 =	sadd.s32 $0x280, s18  }
0x5f: {  	[hbm4b:s18+s3] =	stream.linear.scatter [tilespmem:s24], [sflag:$0x4], $0x1400, $0x38;
	[tilespmem:$0xD400] =	vst v63  }
0x60: {  	_ =	swait.ge [sflag:s26], $0x1400  }
0x61: {  	[sflag:s26] =	ssyncset.done $0x0  }
0x62: {  	[sflag:s26] =	ssyncadd.s32 $0xFFFFEC00  }
0x63: {  	_ =	swait.ge [sflag:s26], $0x1400  }
0x64: {  	[sflag:s26] =	ssyncset.done $0x0  }
0x65: {  	[sflag:s26] =	ssyncadd.s32 $0xFFFFEC00  }
0x66: {  	p0 =	seq.s32 s31, $0xC000;
	_ =	swait.ge [sflag:s26], $0x1400  }
.Ltmp2:
0x67: {  	[sflag:s26] =	ssyncset.done $0x0;
	(pc) =	sbr.rel @p0 .LBB2_4-.Ltmp2, $4  }
0x68: {  	[sflag:s26] =	ssyncadd.s32 $0xFFFFEC00  }
0x69: {  	_ =	swait.ge [sflag:s26], $0x1400  }
0x6a: {  	[sflag:s26] =	ssyncset.done $0x0  }
0x6b: {  	[sflag:s26] =	ssyncadd.s32 $0xFFFFEC00  }
0x6c: {  	s0 =	sadd.s32 $0x400, s1  }
0x6d: {  	[tilespmem:s13], [sflag:$0x1] =	stream.indirect.gather [hbm4b:s2+s12], $0x80, s0, s12, $0xb8;
	[tilespmem:$0xD400] =	vst v63  }
0x6e: {  	s14 =	sadd.s32 $0x480, s1  }
0x6f: {  	[tilespmem:s15], [sflag:$0x1] =	stream.indirect.gather [hbm4b:s2+s12], $0x80, s14, s12, $0xb8;
	[tilespmem:$0xD400] =	vst v63  }
.Ltmp3:
0x70: {  	_ = 	snop;
	(pc) =	sbr.rel .LBB2_2-.Ltmp3, $4  }
0x71: {  	s16 =	sadd.s32 $0x500, s1  }
0x72: {  	[tilespmem:s17], [sflag:$0x1] =	stream.indirect.gather [hbm4b:s2+s12], $0x80, s16, s12, $0xb8;
	[tilespmem:$0xD400] =	vst v63  }
0x73: {  	s18 =	sadd.s32 $0x580, s1;
	s31 =	sadd.s32 $0x1000, s31;
	s30 =	sadd.s32 $0x500, s30  }
0x74: {  	[tilespmem:s19], [sflag:$0x1] =	stream.indirect.gather [hbm4b:s2+s12], $0x80, s18, s12, $0xb8;
	[tilespmem:$0xD400] =	vst v63  }
.LBB2_5:
0x75: {  	_ =	sfence.sel $0x180000  }
0x76: {  	[bflag:$0x0] =	sbarrier.arrive $0xFFFF  }
0x77: {  	_ =	strace $0x90000047  }
0x78: {  	s0 =	stileid.u32;
	[bflag:$0x2] =	sbarrier.arrive $0xFFFF  }
0x79: {  	p0 =	sne.s32 s0, $0x0;
	s0 =	rddreg [dreg:$0x1]  }
0x7a: {  	s0 =	sadd.s32 @!p0 $0x100000, s0  }
0x7b: {  	[sflag:s0] =	ssyncadd.tile.s32 @!p0 $0x1;
	_ =	shalt  }
.Lfunc_end2:
_tile_overlayer_lowered:
.L_overlay_start_2:
0x7c: {  	(tag) =	ssettag $0x2  }
0x7d: {  	s0 =	rddreg [dreg:$0x0];
	s2 =	stileid.u32  }
0x7e: {  	s1 =	rddreg [dreg:$0x1];
	p0 =	sne.s32 s2, $0x0  }
0x7f: {  	s3 =	rddreg [dreg:$0x2];
	[bflag:$0x3] =	sbarrier.arrive $0xFFFF;
	s2 =	simm.s32 @!p0 $0x1C05  }
0x80: {  	[timem:s3], [sflag:s2] =	dma.local @!p0 [hbm:s0], s1  }
0x81: {  	s0 =	simm.s32 @!p0 $0x5  }
0x82: {  	_ =	swait.ge @!p0 [sflag:s0], s1  }
0x83: {  	s1 =	ssub.s32 @!p0 $0x0, s1;
	[sflag:s0] =	ssyncset.done @!p0 $0x0  }
0x84: {  	[sflag:s0] =	ssyncadd.s32 @!p0 s1  }
0x85: {  	[bflag:$0x3] =	sbarrier.arrive $0xFFFF  }
0x86: {  	_ =	shalt  }

</sc_bundles>
